<compile_context>
chip_gen: v7x
topology: tpu7x:2x2x1
jax: 0.10.2.dev20260603
libtpu: 0.0.44.dev20260713+nightly
codegen_flags: <defaults>
</compile_context>

<pallas_src>
import functools

import jax
import jax.numpy as jnp
from jax import lax
from jax.experimental import pallas as pl
from jax.experimental.pallas import tpu as pltpu
from jax.experimental.pallas import tpu_sc as plsc

_N_CORES = 2
_N_SUB = 16
_N_GRAPHS = 64
_DEG_CHUNK = 2000
_DEG_W = 16



def _make_sc_degree(n_pad, n_edges):
    ntiles = _N_CORES * _N_SUB
    e_per_tile = n_edges // ntiles
    n_chunks = e_per_tile // _DEG_CHUNK
    rps = n_pad // _N_SUB

    mesh = plsc.VectorSubcoreMesh(core_axis_name="c", subcore_axis_name="s")

    @functools.partial(
        pl.kernel,
        out_type=jax.ShapeDtypeStruct((_N_CORES, n_pad, 128), jnp.float32),
        mesh=mesh,
        compiler_params=pltpu.CompilerParams(use_tc_tiling_on_sc=False),
        scratch_types=[
            pltpu.VMEM((n_chunks, _DEG_CHUNK), jnp.int32),
            pltpu.VMEM((_DEG_CHUNK, _DEG_W), jnp.float32),
            pltpu.SemaphoreType.DMA,
            pltpu.VMEM_SHARED((n_pad, _DEG_W), jnp.float32),
        ],
    )
    def deg_kernel(ei_hbm, ones_hbm, zero_hbm, out_hbm, didx, ones_v, psem,
                   acc):
        c = lax.axis_index("c")
        s = lax.axis_index("s")
        tid = c * _N_SUB + s
        base = tid * e_per_tile

        def pre(i, carry):
            pltpu.async_copy(ei_hbm.at[1, pl.ds(base + i * _DEG_CHUNK,
                                                _DEG_CHUNK)], didx.at[i], psem)
            return carry

        lax.fori_loop(0, n_chunks, pre, 0)
        pltpu.sync_copy(ones_hbm, ones_v)

        def pre_drain(i, carry):
            pltpu.make_async_copy(ei_hbm.at[1, pl.ds(base, _DEG_CHUNK)],
                                  didx.at[i], psem).wait()
            return carry

        lax.fori_loop(0, n_chunks, pre_drain, 0)
        pltpu.sync_copy(zero_hbm.at[pl.ds(s * rps, rps)],
                        acc.at[pl.ds(s * rps, rps)])
        plsc.subcore_barrier()

        def body(i, carry):
            pltpu.sync_copy(ones_v, acc.at[didx.at[i]], add=True)
            return carry

        lax.fori_loop(0, n_chunks, body, 0)
        plsc.subcore_barrier()
        pltpu.sync_copy(acc.at[pl.ds(s * rps, rps)],
                        out_hbm.at[c, pl.ds(s * rps, rps), pl.ds(0, _DEG_W)])

    return deg_kernel


def _make_sc_scatter(n_pad, n_edges, d, chunk, nbuf):
    ntiles = _N_CORES * _N_SUB
    e_per_tile = n_edges // ntiles
    n_chunks = e_per_tile // chunk
    rps = n_pad // _N_SUB

    mesh = plsc.VectorSubcoreMesh(core_axis_name="c", subcore_axis_name="s")

    @functools.partial(
        pl.kernel,
        out_type=jax.ShapeDtypeStruct((_N_CORES, n_pad, 128), jnp.float32),
        mesh=mesh,
        compiler_params=pltpu.CompilerParams(use_tc_tiling_on_sc=False),
        scratch_types=[
            pltpu.VMEM((n_chunks, chunk), jnp.int32),
            pltpu.VMEM((n_chunks, chunk), jnp.int32),
            pltpu.VMEM((nbuf, chunk, d), jnp.float32),
            pltpu.SemaphoreType.DMA,
            pltpu.VMEM_SHARED((n_pad, d), jnp.float32),
            pltpu.SemaphoreType.DMA((nbuf,)),
            pltpu.SemaphoreType.DMA((nbuf,)),
        ],
    )
    def scatter_kernel(ei_hbm, feat_hbm, zero_hbm, out_hbm,
                       sidx, didx, rows, psem, acc, gsem, ssem):
        c = lax.axis_index("c")
        s = lax.axis_index("s")
        tid = c * _N_SUB + s
        base = tid * e_per_tile

        def pre(i, carry):
            off = base + i * chunk
            pltpu.async_copy(ei_hbm.at[0, pl.ds(off, chunk)], sidx.at[i], psem)
            pltpu.async_copy(ei_hbm.at[1, pl.ds(off, chunk)], didx.at[i], psem)
            return carry

        lax.fori_loop(0, n_chunks, pre, 0)
        pltpu.sync_copy(zero_hbm.at[pl.ds(s * rps, rps)],
                        acc.at[pl.ds(s * rps, rps)])

        def pre_drain(i, carry):
            pltpu.make_async_copy(ei_hbm.at[0, pl.ds(base, chunk)], sidx.at[i],
                                  psem).wait()
            pltpu.make_async_copy(ei_hbm.at[1, pl.ds(base, chunk)], didx.at[i],
                                  psem).wait()
            return carry

        lax.fori_loop(0, n_chunks, pre_drain, 0)
        plsc.subcore_barrier()
        for k in range(min(nbuf - 1, n_chunks)):
            pltpu.async_copy(feat_hbm.at[sidx.at[k]], rows.at[k], gsem.at[k])

        def body(i, carry):
            b = lax.rem(i, nbuf)
            pltpu.make_async_copy(feat_hbm.at[sidx.at[i]], rows.at[b],
                                  gsem.at[b]).wait()
            pltpu.async_copy(rows.at[b], acc.at[didx.at[i]], ssem.at[b],
                             add=True)
            j = i + nbuf - 1
            jb = lax.rem(j, nbuf)

            @pl.when(j < n_chunks)
            def _fire_ahead():
                @pl.when(i >= 1)
                def _drain():
                    pltpu.make_async_copy(rows.at[jb], acc.at[didx.at[i - 1]],
                                          ssem.at[jb]).wait()

                pltpu.async_copy(feat_hbm.at[sidx.at[j]], rows.at[jb],
                                 gsem.at[jb])

            return carry

        lax.fori_loop(0, n_chunks, body, 0)

        def tail(i, carry):
            t = n_chunks - nbuf + i
            tb = lax.rem(t, nbuf)

            @pl.when(t >= 0)
            def _():
                pltpu.make_async_copy(rows.at[tb], acc.at[didx.at[t]],
                                      ssem.at[tb]).wait()

            return carry

        lax.fori_loop(0, nbuf, tail, 0)
        plsc.subcore_barrier()
        pltpu.sync_copy(acc.at[pl.ds(s * rps, rps)],
                        out_hbm.at[c, pl.ds(s * rps, rps), pl.ds(0, d)])

    return scatter_kernel



def _tc1_body(degp_ref, x_ref, w1_ref, dinv_ref, hs_ref):
    deg = degp_ref[0][:, 0:1] + degp_ref[1][:, 0:1] + 1.0
    dinv = lax.rsqrt(deg)
    h = jnp.dot(x_ref[...], w1_ref[...], preferred_element_type=jnp.float32)
    dinv_ref[...] = dinv
    hs_ref[...] = h * dinv


def _tc2_body(p_ref, hs1_ref, dinv_ref, b1_ref, w2_ref, hs2_ref, *, d):
    ssum = p_ref[0][:, 0:d] + p_ref[1][:, 0:d] + hs1_ref[...]
    dinv = dinv_ref[...]
    h1 = jnp.maximum(ssum * dinv + b1_ref[...], 0.0)
    hs2_ref[...] = jnp.dot(h1, w2_ref[...],
                           preferred_element_type=jnp.float32) * dinv


def _tc3_body(p_ref, hs2_ref, dinv_ref, b2_ref, batch_ref, fc1w_ref,
              fc1b_ref, fc2w_ref, fc2b_ref, out_ref, sums, counts, *,
              n_blocks, blk, d2):
    i = pl.program_id(0)

    @pl.when(i == 0)
    def _init():
        sums[...] = jnp.zeros_like(sums)
        counts[...] = jnp.zeros_like(counts)

    ssum = p_ref[0][:, 0:d2] + p_ref[1][:, 0:d2] + hs2_ref[...]
    h2 = jnp.maximum(ssum * dinv_ref[...] + b2_ref[...], 0.0)
    b = batch_ref[0]
    oh = (lax.broadcasted_iota(jnp.int32, (_N_GRAPHS, blk), 0) == b
          ).astype(jnp.float32)
    sums[...] += jnp.dot(oh, h2, preferred_element_type=jnp.float32)
    counts[...] += jnp.sum(oh, axis=1, keepdims=True)

    @pl.when(i == n_blocks - 1)
    def _finish():
        pooled = sums[...] / jnp.maximum(counts[...], 1.0)
        g1 = jnp.maximum(
            jnp.dot(pooled, fc1w_ref[...],
                    preferred_element_type=jnp.float32) + fc1b_ref[...], 0.0)
        z = jnp.dot(g1, fc2w_ref[...],
                    preferred_element_type=jnp.float32) + fc2b_ref[...]
        out_ref[...] = jax.nn.sigmoid(z)



def kernel(x, edge_index, batch, W1, b1, W2, b2, fc1_W, fc1_b, fc2_W, fc2_b):
    n, d_in = x.shape
    n_edges = edge_index.shape[1]
    d1 = W1.shape[1]
    d2 = W2.shape[1]
    blk = 2000
    n_blocks = n // blk

    chunk1 = 200
    chunk2 = 400
    ei = edge_index.astype(jnp.int32)
    batch3d = batch.astype(jnp.int32).reshape(n // blk, 1, blk)

    n_pad = _N_SUB * ((n + 8 * _N_SUB - 1) // (8 * _N_SUB)) * 8
    ones16 = jnp.ones((_DEG_CHUNK, _DEG_W), jnp.float32)
    zeros16 = jnp.zeros((n_pad, _DEG_W), jnp.float32)
    zeros1 = jnp.zeros((n_pad, d1), jnp.float32)
    zeros2 = jnp.zeros((n_pad, d2), jnp.float32)

    degp = _make_sc_degree(n_pad, n_edges)(ei, ones16, zeros16)

    dinv, hs1 = pl.pallas_call(
        _tc1_body,
        grid=(n_blocks,),
        in_specs=[
            pl.BlockSpec((_N_CORES, blk, 128), lambda i: (0, i, 0)),
            pl.BlockSpec((blk, d_in), lambda i: (i, 0)),
            pl.BlockSpec((d_in, d1), lambda i: (0, 0)),
        ],
        out_specs=[
            pl.BlockSpec((blk, 1), lambda i: (i, 0)),
            pl.BlockSpec((blk, d1), lambda i: (i, 0)),
        ],
        out_shape=[
            jax.ShapeDtypeStruct((n, 1), jnp.float32),
            jax.ShapeDtypeStruct((n, d1), jnp.float32),
        ],
    )(degp, x, W1)

    p1 = _make_sc_scatter(n_pad, n_edges, d1, chunk1, 4)(ei, hs1, zeros1)

    hs2 = pl.pallas_call(
        functools.partial(_tc2_body, d=d1),
        grid=(n_blocks,),
        in_specs=[
            pl.BlockSpec((_N_CORES, blk, 128), lambda i: (0, i, 0)),
            pl.BlockSpec((blk, d1), lambda i: (i, 0)),
            pl.BlockSpec((blk, 1), lambda i: (i, 0)),
            pl.BlockSpec((1, d1), lambda i: (0, 0)),
            pl.BlockSpec((d1, d2), lambda i: (0, 0)),
        ],
        out_specs=pl.BlockSpec((blk, d2), lambda i: (i, 0)),
        out_shape=jax.ShapeDtypeStruct((n, d2), jnp.float32),
    )(p1, hs1, dinv, b1.reshape(1, d1), W2)

    p2 = _make_sc_scatter(n_pad, n_edges, d2, chunk2, 4)(ei, hs2, zeros2)

    d3 = fc1_W.shape[1]
    out = pl.pallas_call(
        functools.partial(_tc3_body, n_blocks=n_blocks, blk=blk, d2=d2),
        grid=(n_blocks,),
        in_specs=[
            pl.BlockSpec((_N_CORES, blk, 128), lambda i: (0, i, 0)),
            pl.BlockSpec((blk, d2), lambda i: (i, 0)),
            pl.BlockSpec((blk, 1), lambda i: (i, 0)),
            pl.BlockSpec((1, d2), lambda i: (0, 0)),
            pl.BlockSpec((1, 1, blk), lambda i: (i, 0, 0)),
            pl.BlockSpec((d2, d3), lambda i: (0, 0)),
            pl.BlockSpec((1, d3), lambda i: (0, 0)),
            pl.BlockSpec((d3, 1), lambda i: (0, 0)),
            pl.BlockSpec((1, 1), lambda i: (0, 0)),
        ],
        out_specs=pl.BlockSpec((_N_GRAPHS, 1), lambda i: (0, 0)),
        out_shape=jax.ShapeDtypeStruct((_N_GRAPHS, 1), jnp.float32),
        scratch_shapes=[
            pltpu.VMEM((_N_GRAPHS, d2), jnp.float32),
            pltpu.VMEM((_N_GRAPHS, 1), jnp.float32),
        ],
    )(p2, hs2, dinv, b2.reshape(1, d2), batch3d, fc1_W,
      fc1_b.reshape(1, d3), fc2_W, fc2_b.reshape(1, 1))

    return out

# --- scband reference (transcript-rebuilt; emitter-appended) ---
"""Pipeline reference for scband-gnn-60962765800240 (READ-ONLY COPY).

The authoritative reference and input builder live on the scoring server;
editing this copy changes nothing except your own understanding.
"""

import jax, jax.numpy as jnp
import numpy as np

NUM_NODES = 10000
NUM_EDGES = 320000
NUM_GRAPHS = 64
D_IN = 128


def gcn_conv(x, edge_index, W, b, num_nodes):
    src = edge_index[0]
    dst = edge_index[1]
    loop = jnp.arange(num_nodes, dtype=src.dtype)
    src = jnp.concatenate([src, loop])
    dst = jnp.concatenate([dst, loop])
    deg = jnp.zeros((num_nodes,), dtype=x.dtype).at[dst].add(1.0)
    dinv = jnp.where(deg > 0, deg ** -0.5, 0.0)
    norm = dinv[src] * dinv[dst]
    h = x @ W
    msg = h[src] * norm[:, None]
    out = jax.ops.segment_sum(msg, dst, num_segments=num_nodes)
    return out + b


def setup_inputs(seed: int = 0) -> dict:
    key = jax.random.key(seed)
    ks = jax.random.split(key, 12)
    x = jax.random.normal(ks[0], (NUM_NODES, D_IN), dtype=jnp.float32)
    edge_index = jax.random.randint(ks[1], (2, NUM_EDGES), 0, NUM_NODES, dtype=jnp.int64)
    batch = jnp.sort(jax.random.randint(ks[2], (NUM_NODES,), 0, NUM_GRAPHS, dtype=jnp.int64))
    W1 = jax.random.normal(ks[3], (D_IN, 64), dtype=jnp.float32) * (1.0 / np.sqrt(D_IN))
    b1 = jnp.zeros((64,), dtype=jnp.float32)
    W2 = jax.random.normal(ks[4], (64, 32), dtype=jnp.float32) * (1.0 / np.sqrt(64))
    b2 = jnp.zeros((32,), dtype=jnp.float32)
    fc1_W = jax.random.normal(ks[5], (32, 16), dtype=jnp.float32) * (1.0 / np.sqrt(32))
    fc1_b = jnp.zeros((16,), dtype=jnp.float32)
    fc2_W = jax.random.normal(ks[6], (16, 1), dtype=jnp.float32) * (1.0 / np.sqrt(16))
    fc2_b = jnp.zeros((1,), dtype=jnp.float32)
    return {"x": x, "edge_index": edge_index, "batch": batch, "W1": W1, "b1": b1, "W2": W2, "b2": b2, "fc1_W": fc1_W, "fc1_b": fc1_b, "fc2_W": fc2_W, "fc2_b": fc2_b}


def reference(x, edge_index, batch, W1, b1, W2, b2, fc1_W, fc1_b, fc2_W, fc2_b):
    h = jax.nn.relu(gcn_conv(x, edge_index, W1, b1, NUM_NODES))
    # dropout p=0.2 is identity in eval mode
    h = jax.nn.relu(gcn_conv(h, edge_index, W2, b2, NUM_NODES))
    # global mean pool over graphs
    sums = jax.ops.segment_sum(h, batch, num_segments=NUM_GRAPHS)
    counts = jnp.zeros((NUM_GRAPHS,), dtype=h.dtype).at[batch].add(1.0)
    pooled = sums / jnp.clip(counts, 1.0, None)[:, None]
    g = jax.nn.relu(pooled @ fc1_W + fc1_b)
    # dropout p=0.5 is identity in eval mode
    g = g @ fc2_W + fc2_b
    return jax.nn.sigmoid(g)

if __name__ == "__main__":
    import jax
    _d = setup_inputs()
    print(jax.jit(kernel)(*tuple(_d.values())))

</pallas_src>

<mosaic_0001>
#map = affine_map<(d0, d1) -> (0, 0)>
#map1 = affine_map<(d0, d1) -> (0, 0, 0)>
module attributes {stable_mosaic.version = 14 : i64} {
  func.func @scatter_kernel(%arg0: i32, %arg1: i32, %arg2: memref<2x320000xi32, #tpu.memory_space<hbm>>, %arg3: memref<10000x32xf32, #tpu.memory_space<hbm>>, %arg4: memref<10112x32xf32, #tpu.memory_space<hbm>>, %arg5: memref<2x10112x128xf32, #tpu.memory_space<hbm>>, %arg6: memref<25x400xi32, #tpu.memory_space<vmem>>, %arg7: memref<25x400xi32, #tpu.memory_space<vmem>>, %arg8: memref<4x400x32xf32, #tpu.memory_space<vmem>>, %arg9: memref<!tpu.dma_semaphore, #tpu.memory_space<semaphore_mem>>, %arg10: memref<10112x32xf32, #tpu.memory_space<vmem_shared>>, %arg11: memref<4x!tpu.dma_semaphore, #tpu.memory_space<semaphore_mem>>, %arg12: memref<4x!tpu.dma_semaphore, #tpu.memory_space<semaphore_mem>>) attributes {dimension_semantics = [#tpu.dimension_semantics<core_parallel>, #tpu.dimension_semantics<subcore_parallel>], iteration_bounds = array<i64: 2, 16>, scalar_prefetch = 0 : i64, scratch_operands = 7 : i64, tpu.core_type = #tpu.core_type<sc_vector_subcore>, window_params = [{transform_indices = #map}, {transform_indices = #map}, {transform_indices = #map}, {transform_indices = #map1}]} {
    %mul3A = arith.constant 16 : i32
    %mul3A_0 = arith.muli %arg0, %mul3A : i32
    %add3A = arith.addi %mul3A_0, %arg1 : i32
    %mul3A_1 = arith.constant 10000 : i32
    %mul3A_2 = arith.muli %add3A, %mul3A_1 : i32
    %scan3A = arith.constant 0 : i32
    %scan3A_3 = arith.constant 0 : i32
    %scan3A_4 = arith.constant 25 : i32
    %scan3A_5 = arith.addi %scan3A_3, %scan3A_4 : i32
    %scan3A_6 = arith.constant 1 : i32
    scf.for %scan3A_79 = %scan3A_3 to %scan3A_5 step %scan3A_6  : i32 {
      %mul3A_80 = arith.constant 400 : i32
      %mul3A_81 = arith.muli %scan3A_79, %mul3A_80 : i32
      %add3A_82 = arith.addi %mul3A_2, %mul3A_81 : i32
      %dma_start3A_83 = arith.constant 0 : i32
      %dma_start3A_84 = arith.constant 0 : i32
      %dma_start3A_85 = tpu.memref_slice %arg6[%scan3A_79, %dma_start3A_84] : memref<25x400xi32, #tpu.memory_space<vmem>> -> memref<1x400xi32, #tpu.memory_space<vmem>>
      %dma_start3A_86 = tpu.memref_squeeze %dma_start3A_85 : memref<1x400xi32, #tpu.memory_space<vmem>> -> memref<400xi32, #tpu.memory_space<vmem>>
      %dma_start3A_87 = tpu.memref_slice %arg2[%dma_start3A_83, %add3A_82] : memref<2x320000xi32, #tpu.memory_space<hbm>> -> memref<1x400xi32, #tpu.memory_space<hbm>>
      %dma_start3A_88 = tpu.memref_squeeze %dma_start3A_87 : memref<1x400xi32, #tpu.memory_space<hbm>> -> memref<400xi32, #tpu.memory_space<hbm>>
      %dma_start3A_89 = arith.constant 0 : i32
      %dma_start3A_90 = tpu.memref_slice %arg6[%scan3A_79, %dma_start3A_89] : memref<25x400xi32, #tpu.memory_space<vmem>> -> memref<1x400xi32, #tpu.memory_space<vmem>>
      %dma_start3A_91 = tpu.memref_squeeze %dma_start3A_90 : memref<1x400xi32, #tpu.memory_space<vmem>> -> memref<400xi32, #tpu.memory_space<vmem>>
      %dma_start3A_92 = tpu.memref_slice %arg2[%dma_start3A_83, %add3A_82] : memref<2x320000xi32, #tpu.memory_space<hbm>> -> memref<1x400xi32, #tpu.memory_space<hbm>>
      %dma_start3A_93 = tpu.memref_squeeze %dma_start3A_92 : memref<1x400xi32, #tpu.memory_space<hbm>> -> memref<400xi32, #tpu.memory_space<hbm>>
      tpu.enqueue_dma source(%dma_start3A_93 : memref<400xi32, #tpu.memory_space<hbm>>) target(%dma_start3A_91 : memref<400xi32, #tpu.memory_space<vmem>>) target_semaphore(%arg9 : memref<!tpu.dma_semaphore, #tpu.memory_space<semaphore_mem>>)
      %dma_start3A_94 = arith.constant 1 : i32
      %dma_start3A_95 = arith.constant 0 : i32
      %dma_start3A_96 = tpu.memref_slice %arg7[%scan3A_79, %dma_start3A_95] : memref<25x400xi32, #tpu.memory_space<vmem>> -> memref<1x400xi32, #tpu.memory_space<vmem>>
      %dma_start3A_97 = tpu.memref_squeeze %dma_start3A_96 : memref<1x400xi32, #tpu.memory_space<vmem>> -> memref<400xi32, #tpu.memory_space<vmem>>
      %dma_start3A_98 = tpu.memref_slice %arg2[%dma_start3A_94, %add3A_82] : memref<2x320000xi32, #tpu.memory_space<hbm>> -> memref<1x400xi32, #tpu.memory_space<hbm>>
      %dma_start3A_99 = tpu.memref_squeeze %dma_start3A_98 : memref<1x400xi32, #tpu.memory_space<hbm>> -> memref<400xi32, #tpu.memory_space<hbm>>
      %dma_start3A_100 = arith.constant 0 : i32
      %dma_start3A_101 = tpu.memref_slice %arg7[%scan3A_79, %dma_start3A_100] : memref<25x400xi32, #tpu.memory_space<vmem>> -> memref<1x400xi32, #tpu.memory_space<vmem>>
      %dma_start3A_102 = tpu.memref_squeeze %dma_start3A_101 : memref<1x400xi32, #tpu.memory_space<vmem>> -> memref<400xi32, #tpu.memory_space<vmem>>
      %dma_start3A_103 = tpu.memref_slice %arg2[%dma_start3A_94, %add3A_82] : memref<2x320000xi32, #tpu.memory_space<hbm>> -> memref<1x400xi32, #tpu.memory_space<hbm>>
      %dma_start3A_104 = tpu.memref_squeeze %dma_start3A_103 : memref<1x400xi32, #tpu.memory_space<hbm>> -> memref<400xi32, #tpu.memory_space<hbm>>
      tpu.enqueue_dma source(%dma_start3A_104 : memref<400xi32, #tpu.memory_space<hbm>>) target(%dma_start3A_102 : memref<400xi32, #tpu.memory_space<vmem>>) target_semaphore(%arg9 : memref<!tpu.dma_semaphore, #tpu.memory_space<semaphore_mem>>)
    }
    %scan3A_7 = arith.constant 25 : i32
    %mul3A_8 = arith.constant 632 : i32
    %mul3A_9 = arith.muli %arg1, %mul3A_8 : i32
    %mul3A_10 = arith.constant 632 : i32
    %mul3A_11 = arith.muli %arg1, %mul3A_10 : i32
    "tpu.region"() ({
      %run_scoped3A = tpu.sem_alloc : memref<!tpu.dma_semaphore, #tpu.memory_space<semaphore_mem>>
      %dma_start3A_79 = arith.constant 0 : i32
      %dma_start3A_80 = tpu.memref_slice %arg10[%mul3A_11, %dma_start3A_79] : memref<10112x32xf32, #tpu.memory_space<vmem_shared>> -> memref<632x32xf32, #tpu.memory_space<vmem_shared>>
      %dma_start3A_81 = arith.constant 0 : i32
      %dma_start3A_82 = tpu.memref_slice %arg4[%mul3A_9, %dma_start3A_81] : memref<10112x32xf32, #tpu.memory_space<hbm>> -> memref<632x32xf32, #tpu.memory_space<hbm>>
      tpu.enqueue_dma source(%dma_start3A_82 : memref<632x32xf32, #tpu.memory_space<hbm>>) target(%dma_start3A_80 : memref<632x32xf32, #tpu.memory_space<vmem_shared>>) target_semaphore(%run_scoped3A : memref<!tpu.dma_semaphore, #tpu.memory_space<semaphore_mem>>)
      %dma_wait3A = arith.constant 0 : i32
      %dma_wait3A_83 = tpu.memref_slice %arg10[%mul3A_11, %dma_wait3A] : memref<10112x32xf32, #tpu.memory_space<vmem_shared>> -> memref<632x32xf32, #tpu.memory_space<vmem_shared>>
      %dma_wait3A_84 = arith.constant 0 : i32
      %dma_wait3A_85 = tpu.memref_slice %arg4[%mul3A_9, %dma_wait3A_84] : memref<10112x32xf32, #tpu.memory_space<hbm>> -> memref<632x32xf32, #tpu.memory_space<hbm>>
      tpu.wait_dma2 semaphore(%run_scoped3A : memref<!tpu.dma_semaphore, #tpu.memory_space<semaphore_mem>>) src(%dma_wait3A_85 : memref<632x32xf32, #tpu.memory_space<hbm>>) dst(%dma_wait3A_83 : memref<632x32xf32, #tpu.memory_space<vmem_shared>>)
      tpu.yield
    }) : () -> ()
    %scan3A_12 = arith.constant 0 : i32
    %scan3A_13 = arith.constant 0 : i32
    %scan3A_14 = arith.constant 25 : i32
    %scan3A_15 = arith.addi %scan3A_13, %scan3A_14 : i32
    %scan3A_16 = arith.constant 1 : i32
    scf.for %scan3A_79 = %scan3A_13 to %scan3A_15 step %scan3A_16  : i32 {
      %dma_wait3A = arith.constant 0 : i32
      %dma_wait3A_80 = arith.constant 0 : i32
      %dma_wait3A_81 = tpu.memref_slice %arg6[%scan3A_79, %dma_wait3A_80] : memref<25x400xi32, #tpu.memory_space<vmem>> -> memref<1x400xi32, #tpu.memory_space<vmem>>
      %dma_wait3A_82 = tpu.memref_squeeze %dma_wait3A_81 : memref<1x400xi32, #tpu.memory_space<vmem>> -> memref<400xi32, #tpu.memory_space<vmem>>
      %dma_wait3A_83 = tpu.memref_slice %arg2[%dma_wait3A, %mul3A_2] : memref<2x320000xi32, #tpu.memory_space<hbm>> -> memref<1x400xi32, #tpu.memory_space<hbm>>
      %dma_wait3A_84 = tpu.memref_squeeze %dma_wait3A_83 : memref<1x400xi32, #tpu.memory_space<hbm>> -> memref<400xi32, #tpu.memory_space<hbm>>
      %dma_wait3A_85 = arith.constant 0 : i32
      %dma_wait3A_86 = tpu.memref_slice %arg6[%scan3A_79, %dma_wait3A_85] : memref<25x400xi32, #tpu.memory_space<vmem>> -> memref<1x400xi32, #tpu.memory_space<vmem>>
      %dma_wait3A_87 = tpu.memref_squeeze %dma_wait3A_86 : memref<1x400xi32, #tpu.memory_space<vmem>> -> memref<400xi32, #tpu.memory_space<vmem>>
      %dma_wait3A_88 = tpu.memref_slice %arg2[%dma_wait3A, %mul3A_2] : memref<2x320000xi32, #tpu.memory_space<hbm>> -> memref<1x400xi32, #tpu.memory_space<hbm>>
      %dma_wait3A_89 = tpu.memref_squeeze %dma_wait3A_88 : memref<1x400xi32, #tpu.memory_space<hbm>> -> memref<400xi32, #tpu.memory_space<hbm>>
      tpu.wait_dma2 semaphore(%arg9 : memref<!tpu.dma_semaphore, #tpu.memory_space<semaphore_mem>>) src(%dma_wait3A_89 : memref<400xi32, #tpu.memory_space<hbm>>) dst(%dma_wait3A_87 : memref<400xi32, #tpu.memory_space<vmem>>)
      %dma_wait3A_90 = arith.constant 1 : i32
      %dma_wait3A_91 = arith.constant 0 : i32
      %dma_wait3A_92 = tpu.memref_slice %arg7[%scan3A_79, %dma_wait3A_91] : memref<25x400xi32, #tpu.memory_space<vmem>> -> memref<1x400xi32, #tpu.memory_space<vmem>>
      %dma_wait3A_93 = tpu.memref_squeeze %dma_wait3A_92 : memref<1x400xi32, #tpu.memory_space<vmem>> -> memref<400xi32, #tpu.memory_space<vmem>>
      %dma_wait3A_94 = tpu.memref_slice %arg2[%dma_wait3A_90, %mul3A_2] : memref<2x320000xi32, #tpu.memory_space<hbm>> -> memref<1x400xi32, #tpu.memory_space<hbm>>
      %dma_wait3A_95 = tpu.memref_squeeze %dma_wait3A_94 : memref<1x400xi32, #tpu.memory_space<hbm>> -> memref<400xi32, #tpu.memory_space<hbm>>
      %dma_wait3A_96 = arith.constant 0 : i32
      %dma_wait3A_97 = tpu.memref_slice %arg7[%scan3A_79, %dma_wait3A_96] : memref<25x400xi32, #tpu.memory_space<vmem>> -> memref<1x400xi32, #tpu.memory_space<vmem>>
      %dma_wait3A_98 = tpu.memref_squeeze %dma_wait3A_97 : memref<1x400xi32, #tpu.memory_space<vmem>> -> memref<400xi32, #tpu.memory_space<vmem>>
      %dma_wait3A_99 = tpu.memref_slice %arg2[%dma_wait3A_90, %mul3A_2] : memref<2x320000xi32, #tpu.memory_space<hbm>> -> memref<1x400xi32, #tpu.memory_space<hbm>>
      %dma_wait3A_100 = tpu.memref_squeeze %dma_wait3A_99 : memref<1x400xi32, #tpu.memory_space<hbm>> -> memref<400xi32, #tpu.memory_space<hbm>>
      tpu.wait_dma2 semaphore(%arg9 : memref<!tpu.dma_semaphore, #tpu.memory_space<semaphore_mem>>) src(%dma_wait3A_100 : memref<400xi32, #tpu.memory_space<hbm>>) dst(%dma_wait3A_98 : memref<400xi32, #tpu.memory_space<vmem>>)
    }
    %scan3A_17 = arith.constant 25 : i32
    %barrier3A = arith.constant 0 : index
    tpu.barrier barrier_id(%barrier3A)
    %dma_start3A = arith.constant 0 : i32
    %dma_start3A_18 = arith.constant 0 : i32
    %dma_start3A_19 = arith.constant 0 : i32
    %dma_start3A_20 = arith.constant 0 : i32
    %dma_start3A_21 = arith.constant 0 : i32
    %dma_start3A_22 = tpu.memref_slice %arg8[%dma_start3A_18, %dma_start3A_20, %dma_start3A_21] : memref<4x400x32xf32, #tpu.memory_space<vmem>> -> memref<1x400x32xf32, #tpu.memory_space<vmem>>
    %dma_start3A_23 = tpu.memref_squeeze %dma_start3A_22 : memref<1x400x32xf32, #tpu.memory_space<vmem>> -> memref<400x32xf32, #tpu.memory_space<vmem>>
    %dma_start3A_24 = arith.constant 0 : i32
    %dma_start3A_25 = tpu.memref_slice %arg6[%dma_start3A, %dma_start3A_24] : memref<25x400xi32, #tpu.memory_space<vmem>> -> memref<1x400xi32, #tpu.memory_space<vmem>>
    %dma_start3A_26 = tpu.memref_squeeze %dma_start3A_25 : memref<1x400xi32, #tpu.memory_space<vmem>> -> memref<400xi32, #tpu.memory_space<vmem>>
    %dma_start3A_27 = arith.constant 0 : i32
    %dma_start3A_28 = arith.constant 0 : i32
    %dma_start3A_29 = tpu.memref_slice %arg3[%dma_start3A_27, %dma_start3A_28] : memref<10000x32xf32, #tpu.memory_space<hbm>> -> memref<10000x32xf32, #tpu.memory_space<hbm>>
    %dma_start3A_30 = tpu.memref_slice %arg11[%dma_start3A_19] : memref<4x!tpu.dma_semaphore, #tpu.memory_space<semaphore_mem>> -> memref<1x!tpu.dma_semaphore, #tpu.memory_space<semaphore_mem>>
    %dma_start3A_31 = tpu.memref_squeeze %dma_start3A_30 : memref<1x!tpu.dma_semaphore, #tpu.memory_space<semaphore_mem>> -> memref<!tpu.dma_semaphore, #tpu.memory_space<semaphore_mem>>
    tpu.enqueue_indirect_dma source(%dma_start3A_29 : memref<10000x32xf32, #tpu.memory_space<hbm>>) target(%dma_start3A_23 : memref<400x32xf32, #tpu.memory_space<vmem>>) offsets(%dma_start3A_26 : memref<400xi32, #tpu.memory_space<vmem>>) semaphore(%dma_start3A_31 : memref<!tpu.dma_semaphore, #tpu.memory_space<semaphore_mem>>)
    %dma_start3A_32 = arith.constant 1 : i32
    %dma_start3A_33 = arith.constant 1 : i32
    %dma_start3A_34 = arith.constant 1 : i32
    %dma_start3A_35 = arith.constant 0 : i32
    %dma_start3A_36 = arith.constant 0 : i32
    %dma_start3A_37 = tpu.memref_slice %arg8[%dma_start3A_33, %dma_start3A_35, %dma_start3A_36] : memref<4x400x32xf32, #tpu.memory_space<vmem>> -> memref<1x400x32xf32, #tpu.memory_space<vmem>>
    %dma_start3A_38 = tpu.memref_squeeze %dma_start3A_37 : memref<1x400x32xf32, #tpu.memory_space<vmem>> -> memref<400x32xf32, #tpu.memory_space<vmem>>
    %dma_start3A_39 = arith.constant 0 : i32
    %dma_start3A_40 = tpu.memref_slice %arg6[%dma_start3A_32, %dma_start3A_39] : memref<25x400xi32, #tpu.memory_space<vmem>> -> memref<1x400xi32, #tpu.memory_space<vmem>>
    %dma_start3A_41 = tpu.memref_squeeze %dma_start3A_40 : memref<1x400xi32, #tpu.memory_space<vmem>> -> memref<400xi32, #tpu.memory_space<vmem>>
    %dma_start3A_42 = arith.constant 0 : i32
    %dma_start3A_43 = arith.constant 0 : i32
    %dma_start3A_44 = tpu.memref_slice %arg3[%dma_start3A_42, %dma_start3A_43] : memref<10000x32xf32, #tpu.memory_space<hbm>> -> memref<10000x32xf32, #tpu.memory_space<hbm>>
    %dma_start3A_45 = tpu.memref_slice %arg11[%dma_start3A_34] : memref<4x!tpu.dma_semaphore, #tpu.memory_space<semaphore_mem>> -> memref<1x!tpu.dma_semaphore, #tpu.memory_space<semaphore_mem>>
    %dma_start3A_46 = tpu.memref_squeeze %dma_start3A_45 : memref<1x!tpu.dma_semaphore, #tpu.memory_space<semaphore_mem>> -> memref<!tpu.dma_semaphore, #tpu.memory_space<semaphore_mem>>
    tpu.enqueue_indirect_dma source(%dma_start3A_44 : memref<10000x32xf32, #tpu.memory_space<hbm>>) target(%dma_start3A_38 : memref<400x32xf32, #tpu.memory_space<vmem>>) offsets(%dma_start3A_41 : memref<400xi32, #tpu.memory_space<vmem>>) semaphore(%dma_start3A_46 : memref<!tpu.dma_semaphore, #tpu.memory_space<semaphore_mem>>)
    %dma_start3A_47 = arith.constant 2 : i32
    %dma_start3A_48 = arith.constant 2 : i32
    %dma_start3A_49 = arith.constant 2 : i32
    %dma_start3A_50 = arith.constant 0 : i32
    %dma_start3A_51 = arith.constant 0 : i32
    %dma_start3A_52 = tpu.memref_slice %arg8[%dma_start3A_48, %dma_start3A_50, %dma_start3A_51] : memref<4x400x32xf32, #tpu.memory_space<vmem>> -> memref<1x400x32xf32, #tpu.memory_space<vmem>>
    %dma_start3A_53 = tpu.memref_squeeze %dma_start3A_52 : memref<1x400x32xf32, #tpu.memory_space<vmem>> -> memref<400x32xf32, #tpu.memory_space<vmem>>
    %dma_start3A_54 = arith.constant 0 : i32
    %dma_start3A_55 = tpu.memref_slice %arg6[%dma_start3A_47, %dma_start3A_54] : memref<25x400xi32, #tpu.memory_space<vmem>> -> memref<1x400xi32, #tpu.memory_space<vmem>>
    %dma_start3A_56 = tpu.memref_squeeze %dma_start3A_55 : memref<1x400xi32, #tpu.memory_space<vmem>> -> memref<400xi32, #tpu.memory_space<vmem>>
    %dma_start3A_57 = arith.constant 0 : i32
    %dma_start3A_58 = arith.constant 0 : i32
    %dma_start3A_59 = tpu.memref_slice %arg3[%dma_start3A_57, %dma_start3A_58] : memref<10000x32xf32, #tpu.memory_space<hbm>> -> memref<10000x32xf32, #tpu.memory_space<hbm>>
    %dma_start3A_60 = tpu.memref_slice %arg11[%dma_start3A_49] : memref<4x!tpu.dma_semaphore, #tpu.memory_space<semaphore_mem>> -> memref<1x!tpu.dma_semaphore, #tpu.memory_space<semaphore_mem>>
    %dma_start3A_61 = tpu.memref_squeeze %dma_start3A_60 : memref<1x!tpu.dma_semaphore, #tpu.memory_space<semaphore_mem>> -> memref<!tpu.dma_semaphore, #tpu.memory_space<semaphore_mem>>
    tpu.enqueue_indirect_dma source(%dma_start3A_59 : memref<10000x32xf32, #tpu.memory_space<hbm>>) target(%dma_start3A_53 : memref<400x32xf32, #tpu.memory_space<vmem>>) offsets(%dma_start3A_56 : memref<400xi32, #tpu.memory_space<vmem>>) semaphore(%dma_start3A_61 : memref<!tpu.dma_semaphore, #tpu.memory_space<semaphore_mem>>)
    %scan3A_62 = arith.constant 0 : i32
    %scan3A_63 = arith.constant 0 : i32
    %scan3A_64 = arith.constant 25 : i32
    %scan3A_65 = arith.addi %scan3A_63, %scan3A_64 : i32
    %scan3A_66 = arith.constant 1 : i32
    scf.for %scan3A_79 = %scan3A_63 to %scan3A_65 step %scan3A_66  : i32 {
      %rem3A = arith.constant 4 : i32
      %rem3A_80 = arith.remsi %scan3A_79, %rem3A : i32
      %dma_wait3A = arith.constant 0 : i32
      %dma_wait3A_81 = arith.constant 0 : i32
      %dma_wait3A_82 = tpu.memref_slice %arg8[%rem3A_80, %dma_wait3A, %dma_wait3A_81] : memref<4x400x32xf32, #tpu.memory_space<vmem>> -> memref<1x400x32xf32, #tpu.memory_space<vmem>>
      %dma_wait3A_83 = tpu.memref_squeeze %dma_wait3A_82 : memref<1x400x32xf32, #tpu.memory_space<vmem>> -> memref<400x32xf32, #tpu.memory_space<vmem>>
      %dma_wait3A_84 = arith.constant 0 : i32
      %dma_wait3A_85 = tpu.memref_slice %arg6[%scan3A_79, %dma_wait3A_84] : memref<25x400xi32, #tpu.memory_space<vmem>> -> memref<1x400xi32, #tpu.memory_space<vmem>>
      %dma_wait3A_86 = tpu.memref_squeeze %dma_wait3A_85 : memref<1x400xi32, #tpu.memory_space<vmem>> -> memref<400xi32, #tpu.memory_space<vmem>>
      %dma_wait3A_87 = arith.constant 0 : i32
      %dma_wait3A_88 = arith.constant 0 : i32
      %dma_wait3A_89 = tpu.memref_slice %arg3[%dma_wait3A_87, %dma_wait3A_88] : memref<10000x32xf32, #tpu.memory_space<hbm>> -> memref<10000x32xf32, #tpu.memory_space<hbm>>
      %dma_wait3A_90 = tpu.memref_slice %arg11[%rem3A_80] : memref<4x!tpu.dma_semaphore, #tpu.memory_space<semaphore_mem>> -> memref<1x!tpu.dma_semaphore, #tpu.memory_space<semaphore_mem>>
      %dma_wait3A_91 = tpu.memref_squeeze %dma_wait3A_90 : memref<1x!tpu.dma_semaphore, #tpu.memory_space<semaphore_mem>> -> memref<!tpu.dma_semaphore, #tpu.memory_space<semaphore_mem>>
      tpu.wait_indirect_dma semaphore(%dma_wait3A_91 : memref<!tpu.dma_semaphore, #tpu.memory_space<semaphore_mem>>) src(%dma_wait3A_89 : memref<10000x32xf32, #tpu.memory_space<hbm>>) dst(%dma_wait3A_83 : memref<400x32xf32, #tpu.memory_space<vmem>>)
      %dma_start3A_92 = arith.constant 0 : i32
      %dma_start3A_93 = arith.constant 0 : i32
      %dma_start3A_94 = tpu.memref_slice %arg8[%rem3A_80, %dma_start3A_92, %dma_start3A_93] : memref<4x400x32xf32, #tpu.memory_space<vmem>> -> memref<1x400x32xf32, #tpu.memory_space<vmem>>
      %dma_start3A_95 = tpu.memref_squeeze %dma_start3A_94 : memref<1x400x32xf32, #tpu.memory_space<vmem>> -> memref<400x32xf32, #tpu.memory_space<vmem>>
      %dma_start3A_96 = arith.constant 0 : i32
      %dma_start3A_97 = tpu.memref_slice %arg7[%scan3A_79, %dma_start3A_96] : memref<25x400xi32, #tpu.memory_space<vmem>> -> memref<1x400xi32, #tpu.memory_space<vmem>>
      %dma_start3A_98 = tpu.memref_squeeze %dma_start3A_97 : memref<1x400xi32, #tpu.memory_space<vmem>> -> memref<400xi32, #tpu.memory_space<vmem>>
      %dma_start3A_99 = arith.constant 0 : i32
      %dma_start3A_100 = arith.constant 0 : i32
      %dma_start3A_101 = tpu.memref_slice %arg10[%dma_start3A_99, %dma_start3A_100] : memref<10112x32xf32, #tpu.memory_space<vmem_shared>> -> memref<10112x32xf32, #tpu.memory_space<vmem_shared>>
      %dma_start3A_102 = tpu.memref_slice %arg12[%rem3A_80] : memref<4x!tpu.dma_semaphore, #tpu.memory_space<semaphore_mem>> -> memref<1x!tpu.dma_semaphore, #tpu.memory_space<semaphore_mem>>
      %dma_start3A_103 = tpu.memref_squeeze %dma_start3A_102 : memref<1x!tpu.dma_semaphore, #tpu.memory_space<semaphore_mem>> -> memref<!tpu.dma_semaphore, #tpu.memory_space<semaphore_mem>>
      tpu.enqueue_indirect_dma source(%dma_start3A_95 : memref<400x32xf32, #tpu.memory_space<vmem>>) target(%dma_start3A_101 : memref<10112x32xf32, #tpu.memory_space<vmem_shared>>) offsets(%dma_start3A_98 : memref<400xi32, #tpu.memory_space<vmem>>) semaphore(%dma_start3A_103 : memref<!tpu.dma_semaphore, #tpu.memory_space<semaphore_mem>>) {add = true}
      %add3A_104 = arith.constant 4 : i32
      %add3A_105 = arith.addi %scan3A_79, %add3A_104 : i32
      %sub3A = arith.constant 1 : i32
      %sub3A_106 = arith.subi %add3A_105, %sub3A : i32
      %rem3A_107 = arith.constant 4 : i32
      %rem3A_108 = arith.remsi %sub3A_106, %rem3A_107 : i32
      %lt3A = arith.constant 25 : i32
      %lt3A_109 = arith.cmpi slt, %sub3A_106, %lt3A : i32
      %convert_element_type3A = arith.extui %lt3A_109 : i1 to i32
      %cond3A = arith.constant 0 : i32
      %cond3A_110 = arith.cmpi ne, %convert_element_type3A, %cond3A : i32
      scf.if %cond3A_110 {
        %ge3A = arith.constant 1 : i32
        %ge3A_111 = arith.cmpi sge, %scan3A_79, %ge3A : i32
        %convert_element_type3A_112 = arith.extui %ge3A_111 : i1 to i32
        %cond3A_113 = arith.constant 0 : i32
        %cond3A_114 = arith.cmpi ne, %convert_element_type3A_112, %cond3A_113 : i32
        scf.if %cond3A_114 {
          %sub3A_127 = arith.constant 1 : i32
          %sub3A_128 = arith.subi %scan3A_79, %sub3A_127 : i32
          %dma_wait3A_129 = arith.constant 0 : i32
          %dma_wait3A_130 = arith.constant 0 : i32
          %dma_wait3A_131 = tpu.memref_slice %arg8[%rem3A_108, %dma_wait3A_129, %dma_wait3A_130] : memref<4x400x32xf32, #tpu.memory_space<vmem>> -> memref<1x400x32xf32, #tpu.memory_space<vmem>>
          %dma_wait3A_132 = tpu.memref_squeeze %dma_wait3A_131 : memref<1x400x32xf32, #tpu.memory_space<vmem>> -> memref<400x32xf32, #tpu.memory_space<vmem>>
          %dma_wait3A_133 = arith.constant 0 : i32
          %dma_wait3A_134 = tpu.memref_slice %arg7[%sub3A_128, %dma_wait3A_133] : memref<25x400xi32, #tpu.memory_space<vmem>> -> memref<1x400xi32, #tpu.memory_space<vmem>>
          %dma_wait3A_135 = tpu.memref_squeeze %dma_wait3A_134 : memref<1x400xi32, #tpu.memory_space<vmem>> -> memref<400xi32, #tpu.memory_space<vmem>>
          %dma_wait3A_136 = arith.constant 0 : i32
          %dma_wait3A_137 = arith.constant 0 : i32
          %dma_wait3A_138 = tpu.memref_slice %arg10[%dma_wait3A_136, %dma_wait3A_137] : memref<10112x32xf32, #tpu.memory_space<vmem_shared>> -> memref<10112x32xf32, #tpu.memory_space<vmem_shared>>
          %dma_wait3A_139 = tpu.memref_slice %arg12[%rem3A_108] : memref<4x!tpu.dma_semaphore, #tpu.memory_space<semaphore_mem>> -> memref<1x!tpu.dma_semaphore, #tpu.memory_space<semaphore_mem>>
          %dma_wait3A_140 = tpu.memref_squeeze %dma_wait3A_139 : memref<1x!tpu.dma_semaphore, #tpu.memory_space<semaphore_mem>> -> memref<!tpu.dma_semaphore, #tpu.memory_space<semaphore_mem>>
          tpu.wait_indirect_dma semaphore(%dma_wait3A_140 : memref<!tpu.dma_semaphore, #tpu.memory_space<semaphore_mem>>) src(%dma_wait3A_132 : memref<400x32xf32, #tpu.memory_space<vmem>>) dst(%dma_wait3A_138 : memref<10112x32xf32, #tpu.memory_space<vmem_shared>>)
        } else {
        }
        %dma_start3A_115 = arith.constant 0 : i32
        %dma_start3A_116 = arith.constant 0 : i32
        %dma_start3A_117 = tpu.memref_slice %arg8[%rem3A_108, %dma_start3A_115, %dma_start3A_116] : memref<4x400x32xf32, #tpu.memory_space<vmem>> -> memref<1x400x32xf32, #tpu.memory_space<vmem>>
        %dma_start3A_118 = tpu.memref_squeeze %dma_start3A_117 : memref<1x400x32xf32, #tpu.memory_space<vmem>> -> memref<400x32xf32, #tpu.memory_space<vmem>>
        %dma_start3A_119 = arith.constant 0 : i32
        %dma_start3A_120 = tpu.memref_slice %arg6[%sub3A_106, %dma_start3A_119] : memref<25x400xi32, #tpu.memory_space<vmem>> -> memref<1x400xi32, #tpu.memory_space<vmem>>
        %dma_start3A_121 = tpu.memref_squeeze %dma_start3A_120 : memref<1x400xi32, #tpu.memory_space<vmem>> -> memref<400xi32, #tpu.memory_space<vmem>>
        %dma_start3A_122 = arith.constant 0 : i32
        %dma_start3A_123 = arith.constant 0 : i32
        %dma_start3A_124 = tpu.memref_slice %arg3[%dma_start3A_122, %dma_start3A_123] : memref<10000x32xf32, #tpu.memory_space<hbm>> -> memref<10000x32xf32, #tpu.memory_space<hbm>>
        %dma_start3A_125 = tpu.memref_slice %arg11[%rem3A_108] : memref<4x!tpu.dma_semaphore, #tpu.memory_space<semaphore_mem>> -> memref<1x!tpu.dma_semaphore, #tpu.memory_space<semaphore_mem>>
        %dma_start3A_126 = tpu.memref_squeeze %dma_start3A_125 : memref<1x!tpu.dma_semaphore, #tpu.memory_space<semaphore_mem>> -> memref<!tpu.dma_semaphore, #tpu.memory_space<semaphore_mem>>
        tpu.enqueue_indirect_dma source(%dma_start3A_124 : memref<10000x32xf32, #tpu.memory_space<hbm>>) target(%dma_start3A_118 : memref<400x32xf32, #tpu.memory_space<vmem>>) offsets(%dma_start3A_121 : memref<400xi32, #tpu.memory_space<vmem>>) semaphore(%dma_start3A_126 : memref<!tpu.dma_semaphore, #tpu.memory_space<semaphore_mem>>)
      } else {
      }
    }
    %scan3A_67 = arith.constant 25 : i32
    %scan3A_68 = arith.constant 0 : i32
    %scan3A_69 = arith.constant 0 : i32
    %scan3A_70 = arith.constant 4 : i32
    %scan3A_71 = arith.addi %scan3A_69, %scan3A_70 : i32
    %scan3A_72 = arith.constant 1 : i32
    scf.for %scan3A_79 = %scan3A_69 to %scan3A_71 step %scan3A_72  : i32 {
      %add3A_80 = arith.constant 21 : i32
      %add3A_81 = arith.addi %add3A_80, %scan3A_79 : i32
      %rem3A = arith.constant 4 : i32
      %rem3A_82 = arith.remsi %add3A_81, %rem3A : i32
      %ge3A = arith.constant 0 : i32
      %ge3A_83 = arith.cmpi sge, %add3A_81, %ge3A : i32
      %convert_element_type3A = arith.extui %ge3A_83 : i1 to i32
      %cond3A = arith.constant 0 : i32
      %cond3A_84 = arith.cmpi ne, %convert_element_type3A, %cond3A : i32
      scf.if %cond3A_84 {
        %dma_wait3A = arith.constant 0 : i32
        %dma_wait3A_85 = arith.constant 0 : i32
        %dma_wait3A_86 = tpu.memref_slice %arg8[%rem3A_82, %dma_wait3A, %dma_wait3A_85] : memref<4x400x32xf32, #tpu.memory_space<vmem>> -> memref<1x400x32xf32, #tpu.memory_space<vmem>>
        %dma_wait3A_87 = tpu.memref_squeeze %dma_wait3A_86 : memref<1x400x32xf32, #tpu.memory_space<vmem>> -> memref<400x32xf32, #tpu.memory_space<vmem>>
        %dma_wait3A_88 = arith.constant 0 : i32
        %dma_wait3A_89 = tpu.memref_slice %arg7[%add3A_81, %dma_wait3A_88] : memref<25x400xi32, #tpu.memory_space<vmem>> -> memref<1x400xi32, #tpu.memory_space<vmem>>
        %dma_wait3A_90 = tpu.memref_squeeze %dma_wait3A_89 : memref<1x400xi32, #tpu.memory_space<vmem>> -> memref<400xi32, #tpu.memory_space<vmem>>
        %dma_wait3A_91 = arith.constant 0 : i32
        %dma_wait3A_92 = arith.constant 0 : i32
        %dma_wait3A_93 = tpu.memref_slice %arg10[%dma_wait3A_91, %dma_wait3A_92] : memref<10112x32xf32, #tpu.memory_space<vmem_shared>> -> memref<10112x32xf32, #tpu.memory_space<vmem_shared>>
        %dma_wait3A_94 = tpu.memref_slice %arg12[%rem3A_82] : memref<4x!tpu.dma_semaphore, #tpu.memory_space<semaphore_mem>> -> memref<1x!tpu.dma_semaphore, #tpu.memory_space<semaphore_mem>>
        %dma_wait3A_95 = tpu.memref_squeeze %dma_wait3A_94 : memref<1x!tpu.dma_semaphore, #tpu.memory_space<semaphore_mem>> -> memref<!tpu.dma_semaphore, #tpu.memory_space<semaphore_mem>>
        tpu.wait_indirect_dma semaphore(%dma_wait3A_95 : memref<!tpu.dma_semaphore, #tpu.memory_space<semaphore_mem>>) src(%dma_wait3A_87 : memref<400x32xf32, #tpu.memory_space<vmem>>) dst(%dma_wait3A_93 : memref<10112x32xf32, #tpu.memory_space<vmem_shared>>)
      } else {
      }
    }
    %scan3A_73 = arith.constant 4 : i32
    %barrier3A_74 = arith.constant 0 : index
    tpu.barrier barrier_id(%barrier3A_74)
    %mul3A_75 = arith.constant 632 : i32
    %mul3A_76 = arith.muli %arg1, %mul3A_75 : i32
    %mul3A_77 = arith.constant 632 : i32
    %mul3A_78 = arith.muli %arg1, %mul3A_77 : i32
    "tpu.region"() ({
      %run_scoped3A = tpu.sem_alloc : memref<!tpu.dma_semaphore, #tpu.memory_space<semaphore_mem>>
      %dma_start3A_79 = arith.constant 0 : i32
      %dma_start3A_80 = tpu.memref_slice %arg5[%arg0, %mul3A_78, %dma_start3A_79] : memref<2x10112x128xf32, #tpu.memory_space<hbm>> -> memref<1x632x32xf32, #tpu.memory_space<hbm>>
      %dma_start3A_81 = tpu.memref_squeeze %dma_start3A_80 : memref<1x632x32xf32, #tpu.memory_space<hbm>> -> memref<632x32xf32, #tpu.memory_space<hbm>>
      %dma_start3A_82 = arith.constant 0 : i32
      %dma_start3A_83 = tpu.memref_slice %arg10[%mul3A_76, %dma_start3A_82] : memref<10112x32xf32, #tpu.memory_space<vmem_shared>> -> memref<632x32xf32, #tpu.memory_space<vmem_shared>>
      tpu.enqueue_dma source(%dma_start3A_83 : memref<632x32xf32, #tpu.memory_space<vmem_shared>>) target(%dma_start3A_81 : memref<632x32xf32, #tpu.memory_space<hbm>>) target_semaphore(%run_scoped3A : memref<!tpu.dma_semaphore, #tpu.memory_space<semaphore_mem>>)
      %dma_wait3A = arith.constant 0 : i32
      %dma_wait3A_84 = tpu.memref_slice %arg5[%arg0, %mul3A_78, %dma_wait3A] : memref<2x10112x128xf32, #tpu.memory_space<hbm>> -> memref<1x632x32xf32, #tpu.memory_space<hbm>>
      %dma_wait3A_85 = tpu.memref_squeeze %dma_wait3A_84 : memref<1x632x32xf32, #tpu.memory_space<hbm>> -> memref<632x32xf32, #tpu.memory_space<hbm>>
      %dma_wait3A_86 = arith.constant 0 : i32
      %dma_wait3A_87 = tpu.memref_slice %arg10[%mul3A_76, %dma_wait3A_86] : memref<10112x32xf32, #tpu.memory_space<vmem_shared>> -> memref<632x32xf32, #tpu.memory_space<vmem_shared>>
      tpu.wait_dma2 semaphore(%run_scoped3A : memref<!tpu.dma_semaphore, #tpu.memory_space<semaphore_mem>>) src(%dma_wait3A_87 : memref<632x32xf32, #tpu.memory_space<vmem_shared>>) dst(%dma_wait3A_85 : memref<632x32xf32, #tpu.memory_space<hbm>>)
      tpu.yield
    }) : () -> ()
    return
  }
}

#map = affine_map<(d0, d1) -> (0, 0)>
#map1 = affine_map<(d0, d1) -> (0, 0, 0)>
module attributes {stable_mosaic.version = 14 : i64} {
  func.func @deg_kernel(%arg0: i32, %arg1: i32, %arg2: memref<2x320000xi32, #tpu.memory_space<hbm>>, %arg3: memref<2000x16xf32, #tpu.memory_space<hbm>>, %arg4: memref<10112x16xf32, #tpu.memory_space<hbm>>, %arg5: memref<2x10112x128xf32, #tpu.memory_space<hbm>>, %arg6: memref<5x2000xi32, #tpu.memory_space<vmem>>, %arg7: memref<2000x16xf32, #tpu.memory_space<vmem>>, %arg8: memref<!tpu.dma_semaphore, #tpu.memory_space<semaphore_mem>>, %arg9: memref<10112x16xf32, #tpu.memory_space<vmem_shared>>) attributes {dimension_semantics = [#tpu.dimension_semantics<core_parallel>, #tpu.dimension_semantics<subcore_parallel>], iteration_bounds = array<i64: 2, 16>, scalar_prefetch = 0 : i64, scratch_operands = 4 : i64, tpu.core_type = #tpu.core_type<sc_vector_subcore>, window_params = [{transform_indices = #map}, {transform_indices = #map}, {transform_indices = #map}, {transform_indices = #map1}]} {
    %mul3A = arith.constant 16 : i32
    %mul3A_0 = arith.muli %arg0, %mul3A : i32
    %add3A = arith.addi %mul3A_0, %arg1 : i32
    %mul3A_1 = arith.constant 10000 : i32
    %mul3A_2 = arith.muli %add3A, %mul3A_1 : i32
    %scan3A = arith.constant 0 : i32
    %scan3A_3 = arith.constant 0 : i32
    %scan3A_4 = arith.constant 5 : i32
    %scan3A_5 = arith.addi %scan3A_3, %scan3A_4 : i32
    %scan3A_6 = arith.constant 1 : i32
    scf.for %scan3A_29 = %scan3A_3 to %scan3A_5 step %scan3A_6  : i32 {
      %mul3A_30 = arith.constant 2000 : i32
      %mul3A_31 = arith.muli %scan3A_29, %mul3A_30 : i32
      %add3A_32 = arith.addi %mul3A_2, %mul3A_31 : i32
      %dma_start3A = arith.constant 1 : i32
      %dma_start3A_33 = arith.constant 0 : i32
      %dma_start3A_34 = tpu.memref_slice %arg6[%scan3A_29, %dma_start3A_33] : memref<5x2000xi32, #tpu.memory_space<vmem>> -> memref<1x2000xi32, #tpu.memory_space<vmem>>
      %dma_start3A_35 = tpu.memref_squeeze %dma_start3A_34 : memref<1x2000xi32, #tpu.memory_space<vmem>> -> memref<2000xi32, #tpu.memory_space<vmem>>
      %dma_start3A_36 = tpu.memref_slice %arg2[%dma_start3A, %add3A_32] : memref<2x320000xi32, #tpu.memory_space<hbm>> -> memref<1x2000xi32, #tpu.memory_space<hbm>>
      %dma_start3A_37 = tpu.memref_squeeze %dma_start3A_36 : memref<1x2000xi32, #tpu.memory_space<hbm>> -> memref<2000xi32, #tpu.memory_space<hbm>>
      %dma_start3A_38 = arith.constant 0 : i32
      %dma_start3A_39 = tpu.memref_slice %arg6[%scan3A_29, %dma_start3A_38] : memref<5x2000xi32, #tpu.memory_space<vmem>> -> memref<1x2000xi32, #tpu.memory_space<vmem>>
      %dma_start3A_40 = tpu.memref_squeeze %dma_start3A_39 : memref<1x2000xi32, #tpu.memory_space<vmem>> -> memref<2000xi32, #tpu.memory_space<vmem>>
      %dma_start3A_41 = tpu.memref_slice %arg2[%dma_start3A, %add3A_32] : memref<2x320000xi32, #tpu.memory_space<hbm>> -> memref<1x2000xi32, #tpu.memory_space<hbm>>
      %dma_start3A_42 = tpu.memref_squeeze %dma_start3A_41 : memref<1x2000xi32, #tpu.memory_space<hbm>> -> memref<2000xi32, #tpu.memory_space<hbm>>
      tpu.enqueue_dma source(%dma_start3A_42 : memref<2000xi32, #tpu.memory_space<hbm>>) target(%dma_start3A_40 : memref<2000xi32, #tpu.memory_space<vmem>>) target_semaphore(%arg8 : memref<!tpu.dma_semaphore, #tpu.memory_space<semaphore_mem>>)
    }
    %scan3A_7 = arith.constant 5 : i32
    "tpu.region"() ({
      %run_scoped3A = tpu.sem_alloc : memref<!tpu.dma_semaphore, #tpu.memory_space<semaphore_mem>>
      tpu.enqueue_dma source(%arg3 : memref<2000x16xf32, #tpu.memory_space<hbm>>) target(%arg7 : memref<2000x16xf32, #tpu.memory_space<vmem>>) target_semaphore(%run_scoped3A : memref<!tpu.dma_semaphore, #tpu.memory_space<semaphore_mem>>)
      tpu.wait_dma2 semaphore(%run_scoped3A : memref<!tpu.dma_semaphore, #tpu.memory_space<semaphore_mem>>) src(%arg3 : memref<2000x16xf32, #tpu.memory_space<hbm>>) dst(%arg7 : memref<2000x16xf32, #tpu.memory_space<vmem>>)
      tpu.yield
    }) : () -> ()
    %scan3A_8 = arith.constant 0 : i32
    %scan3A_9 = arith.constant 0 : i32
    %scan3A_10 = arith.constant 5 : i32
    %scan3A_11 = arith.addi %scan3A_9, %scan3A_10 : i32
    %scan3A_12 = arith.constant 1 : i32
    scf.for %scan3A_29 = %scan3A_9 to %scan3A_11 step %scan3A_12  : i32 {
      %dma_wait3A = arith.constant 1 : i32
      %dma_wait3A_30 = arith.constant 0 : i32
      %dma_wait3A_31 = tpu.memref_slice %arg6[%scan3A_29, %dma_wait3A_30] : memref<5x2000xi32, #tpu.memory_space<vmem>> -> memref<1x2000xi32, #tpu.memory_space<vmem>>
      %dma_wait3A_32 = tpu.memref_squeeze %dma_wait3A_31 : memref<1x2000xi32, #tpu.memory_space<vmem>> -> memref<2000xi32, #tpu.memory_space<vmem>>
      %dma_wait3A_33 = tpu.memref_slice %arg2[%dma_wait3A, %mul3A_2] : memref<2x320000xi32, #tpu.memory_space<hbm>> -> memref<1x2000xi32, #tpu.memory_space<hbm>>
      %dma_wait3A_34 = tpu.memref_squeeze %dma_wait3A_33 : memref<1x2000xi32, #tpu.memory_space<hbm>> -> memref<2000xi32, #tpu.memory_space<hbm>>
      %dma_wait3A_35 = arith.constant 0 : i32
      %dma_wait3A_36 = tpu.memref_slice %arg6[%scan3A_29, %dma_wait3A_35] : memref<5x2000xi32, #tpu.memory_space<vmem>> -> memref<1x2000xi32, #tpu.memory_space<vmem>>
      %dma_wait3A_37 = tpu.memref_squeeze %dma_wait3A_36 : memref<1x2000xi32, #tpu.memory_space<vmem>> -> memref<2000xi32, #tpu.memory_space<vmem>>
      %dma_wait3A_38 = tpu.memref_slice %arg2[%dma_wait3A, %mul3A_2] : memref<2x320000xi32, #tpu.memory_space<hbm>> -> memref<1x2000xi32, #tpu.memory_space<hbm>>
      %dma_wait3A_39 = tpu.memref_squeeze %dma_wait3A_38 : memref<1x2000xi32, #tpu.memory_space<hbm>> -> memref<2000xi32, #tpu.memory_space<hbm>>
      tpu.wait_dma2 semaphore(%arg8 : memref<!tpu.dma_semaphore, #tpu.memory_space<semaphore_mem>>) src(%dma_wait3A_39 : memref<2000xi32, #tpu.memory_space<hbm>>) dst(%dma_wait3A_37 : memref<2000xi32, #tpu.memory_space<vmem>>)
    }
    %scan3A_13 = arith.constant 5 : i32
    %mul3A_14 = arith.constant 632 : i32
    %mul3A_15 = arith.muli %arg1, %mul3A_14 : i32
    %mul3A_16 = arith.constant 632 : i32
    %mul3A_17 = arith.muli %arg1, %mul3A_16 : i32
    "tpu.region"() ({
      %run_scoped3A = tpu.sem_alloc : memref<!tpu.dma_semaphore, #tpu.memory_space<semaphore_mem>>
      %dma_start3A = arith.constant 0 : i32
      %dma_start3A_29 = tpu.memref_slice %arg9[%mul3A_17, %dma_start3A] : memref<10112x16xf32, #tpu.memory_space<vmem_shared>> -> memref<632x16xf32, #tpu.memory_space<vmem_shared>>
      %dma_start3A_30 = arith.constant 0 : i32
      %dma_start3A_31 = tpu.memref_slice %arg4[%mul3A_15, %dma_start3A_30] : memref<10112x16xf32, #tpu.memory_space<hbm>> -> memref<632x16xf32, #tpu.memory_space<hbm>>
      tpu.enqueue_dma source(%dma_start3A_31 : memref<632x16xf32, #tpu.memory_space<hbm>>) target(%dma_start3A_29 : memref<632x16xf32, #tpu.memory_space<vmem_shared>>) target_semaphore(%run_scoped3A : memref<!tpu.dma_semaphore, #tpu.memory_space<semaphore_mem>>)
      %dma_wait3A = arith.constant 0 : i32
      %dma_wait3A_32 = tpu.memref_slice %arg9[%mul3A_17, %dma_wait3A] : memref<10112x16xf32, #tpu.memory_space<vmem_shared>> -> memref<632x16xf32, #tpu.memory_space<vmem_shared>>
      %dma_wait3A_33 = arith.constant 0 : i32
      %dma_wait3A_34 = tpu.memref_slice %arg4[%mul3A_15, %dma_wait3A_33] : memref<10112x16xf32, #tpu.memory_space<hbm>> -> memref<632x16xf32, #tpu.memory_space<hbm>>
      tpu.wait_dma2 semaphore(%run_scoped3A : memref<!tpu.dma_semaphore, #tpu.memory_space<semaphore_mem>>) src(%dma_wait3A_34 : memref<632x16xf32, #tpu.memory_space<hbm>>) dst(%dma_wait3A_32 : memref<632x16xf32, #tpu.memory_space<vmem_shared>>)
      tpu.yield
    }) : () -> ()
    %barrier3A = arith.constant 0 : index
    tpu.barrier barrier_id(%barrier3A)
    %scan3A_18 = arith.constant 0 : i32
    %scan3A_19 = arith.constant 0 : i32
    %scan3A_20 = arith.constant 5 : i32
    %scan3A_21 = arith.addi %scan3A_19, %scan3A_20 : i32
    %scan3A_22 = arith.constant 1 : i32
    scf.for %scan3A_29 = %scan3A_19 to %scan3A_21 step %scan3A_22  : i32 {
      "tpu.region"() ({
        %run_scoped3A = tpu.sem_alloc : memref<!tpu.dma_semaphore, #tpu.memory_space<semaphore_mem>>
        %dma_start3A = arith.constant 0 : i32
        %dma_start3A_30 = tpu.memref_slice %arg6[%scan3A_29, %dma_start3A] : memref<5x2000xi32, #tpu.memory_space<vmem>> -> memref<1x2000xi32, #tpu.memory_space<vmem>>
        %dma_start3A_31 = tpu.memref_squeeze %dma_start3A_30 : memref<1x2000xi32, #tpu.memory_space<vmem>> -> memref<2000xi32, #tpu.memory_space<vmem>>
        %dma_start3A_32 = arith.constant 0 : i32
        %dma_start3A_33 = arith.constant 0 : i32
        %dma_start3A_34 = tpu.memref_slice %arg9[%dma_start3A_32, %dma_start3A_33] : memref<10112x16xf32, #tpu.memory_space<vmem_shared>> -> memref<10112x16xf32, #tpu.memory_space<vmem_shared>>
        tpu.enqueue_indirect_dma source(%arg7 : memref<2000x16xf32, #tpu.memory_space<vmem>>) target(%dma_start3A_34 : memref<10112x16xf32, #tpu.memory_space<vmem_shared>>) offsets(%dma_start3A_31 : memref<2000xi32, #tpu.memory_space<vmem>>) semaphore(%run_scoped3A : memref<!tpu.dma_semaphore, #tpu.memory_space<semaphore_mem>>) {add = true}
        %dma_wait3A = arith.constant 0 : i32
        %dma_wait3A_35 = tpu.memref_slice %arg6[%scan3A_29, %dma_wait3A] : memref<5x2000xi32, #tpu.memory_space<vmem>> -> memref<1x2000xi32, #tpu.memory_space<vmem>>
        %dma_wait3A_36 = tpu.memref_squeeze %dma_wait3A_35 : memref<1x2000xi32, #tpu.memory_space<vmem>> -> memref<2000xi32, #tpu.memory_space<vmem>>
        %dma_wait3A_37 = arith.constant 0 : i32
        %dma_wait3A_38 = arith.constant 0 : i32
        %dma_wait3A_39 = tpu.memref_slice %arg9[%dma_wait3A_37, %dma_wait3A_38] : memref<10112x16xf32, #tpu.memory_space<vmem_shared>> -> memref<10112x16xf32, #tpu.memory_space<vmem_shared>>
        tpu.wait_indirect_dma semaphore(%run_scoped3A : memref<!tpu.dma_semaphore, #tpu.memory_space<semaphore_mem>>) src(%arg7 : memref<2000x16xf32, #tpu.memory_space<vmem>>) dst(%dma_wait3A_39 : memref<10112x16xf32, #tpu.memory_space<vmem_shared>>)
        tpu.yield
      }) : () -> ()
    }
    %scan3A_23 = arith.constant 5 : i32
    %barrier3A_24 = arith.constant 0 : index
    tpu.barrier barrier_id(%barrier3A_24)
    %mul3A_25 = arith.constant 632 : i32
    %mul3A_26 = arith.muli %arg1, %mul3A_25 : i32
    %mul3A_27 = arith.constant 632 : i32
    %mul3A_28 = arith.muli %arg1, %mul3A_27 : i32
    "tpu.region"() ({
      %run_scoped3A = tpu.sem_alloc : memref<!tpu.dma_semaphore, #tpu.memory_space<semaphore_mem>>
      %dma_start3A = arith.constant 0 : i32
      %dma_start3A_29 = tpu.memref_slice %arg5[%arg0, %mul3A_28, %dma_start3A] : memref<2x10112x128xf32, #tpu.memory_space<hbm>> -> memref<1x632x16xf32, #tpu.memory_space<hbm>>
      %dma_start3A_30 = tpu.memref_squeeze %dma_start3A_29 : memref<1x632x16xf32, #tpu.memory_space<hbm>> -> memref<632x16xf32, #tpu.memory_space<hbm>>
      %dma_start3A_31 = arith.constant 0 : i32
      %dma_start3A_32 = tpu.memref_slice %arg9[%mul3A_26, %dma_start3A_31] : memref<10112x16xf32, #tpu.memory_space<vmem_shared>> -> memref<632x16xf32, #tpu.memory_space<vmem_shared>>
      tpu.enqueue_dma source(%dma_start3A_32 : memref<632x16xf32, #tpu.memory_space<vmem_shared>>) target(%dma_start3A_30 : memref<632x16xf32, #tpu.memory_space<hbm>>) target_semaphore(%run_scoped3A : memref<!tpu.dma_semaphore, #tpu.memory_space<semaphore_mem>>)
      %dma_wait3A = arith.constant 0 : i32
      %dma_wait3A_33 = tpu.memref_slice %arg5[%arg0, %mul3A_28, %dma_wait3A] : memref<2x10112x128xf32, #tpu.memory_space<hbm>> -> memref<1x632x16xf32, #tpu.memory_space<hbm>>
      %dma_wait3A_34 = tpu.memref_squeeze %dma_wait3A_33 : memref<1x632x16xf32, #tpu.memory_space<hbm>> -> memref<632x16xf32, #tpu.memory_space<hbm>>
      %dma_wait3A_35 = arith.constant 0 : i32
      %dma_wait3A_36 = tpu.memref_slice %arg9[%mul3A_26, %dma_wait3A_35] : memref<10112x16xf32, #tpu.memory_space<vmem_shared>> -> memref<632x16xf32, #tpu.memory_space<vmem_shared>>
      tpu.wait_dma2 semaphore(%run_scoped3A : memref<!tpu.dma_semaphore, #tpu.memory_space<semaphore_mem>>) src(%dma_wait3A_36 : memref<632x16xf32, #tpu.memory_space<vmem_shared>>) dst(%dma_wait3A_34 : memref<632x16xf32, #tpu.memory_space<hbm>>)
      tpu.yield
    }) : () -> ()
    return
  }
}

#map = affine_map<(d0, d1) -> (0, 0)>
#map1 = affine_map<(d0, d1) -> (0, 0, 0)>
module attributes {stable_mosaic.version = 14 : i64} {
  func.func @scatter_kernel(%arg0: i32, %arg1: i32, %arg2: memref<2x320000xi32, #tpu.memory_space<hbm>>, %arg3: memref<10000x64xf32, #tpu.memory_space<hbm>>, %arg4: memref<10112x64xf32, #tpu.memory_space<hbm>>, %arg5: memref<2x10112x128xf32, #tpu.memory_space<hbm>>, %arg6: memref<50x200xi32, #tpu.memory_space<vmem>>, %arg7: memref<50x200xi32, #tpu.memory_space<vmem>>, %arg8: memref<4x200x64xf32, #tpu.memory_space<vmem>>, %arg9: memref<!tpu.dma_semaphore, #tpu.memory_space<semaphore_mem>>, %arg10: memref<10112x64xf32, #tpu.memory_space<vmem_shared>>, %arg11: memref<4x!tpu.dma_semaphore, #tpu.memory_space<semaphore_mem>>, %arg12: memref<4x!tpu.dma_semaphore, #tpu.memory_space<semaphore_mem>>) attributes {dimension_semantics = [#tpu.dimension_semantics<core_parallel>, #tpu.dimension_semantics<subcore_parallel>], iteration_bounds = array<i64: 2, 16>, scalar_prefetch = 0 : i64, scratch_operands = 7 : i64, tpu.core_type = #tpu.core_type<sc_vector_subcore>, window_params = [{transform_indices = #map}, {transform_indices = #map}, {transform_indices = #map}, {transform_indices = #map1}]} {
    %mul3A = arith.constant 16 : i32
    %mul3A_0 = arith.muli %arg0, %mul3A : i32
    %add3A = arith.addi %mul3A_0, %arg1 : i32
    %mul3A_1 = arith.constant 10000 : i32
    %mul3A_2 = arith.muli %add3A, %mul3A_1 : i32
    %scan3A = arith.constant 0 : i32
    %scan3A_3 = arith.constant 0 : i32
    %scan3A_4 = arith.constant 50 : i32
    %scan3A_5 = arith.addi %scan3A_3, %scan3A_4 : i32
    %scan3A_6 = arith.constant 1 : i32
    scf.for %scan3A_79 = %scan3A_3 to %scan3A_5 step %scan3A_6  : i32 {
      %mul3A_80 = arith.constant 200 : i32
      %mul3A_81 = arith.muli %scan3A_79, %mul3A_80 : i32
      %add3A_82 = arith.addi %mul3A_2, %mul3A_81 : i32
      %dma_start3A_83 = arith.constant 0 : i32
      %dma_start3A_84 = arith.constant 0 : i32
      %dma_start3A_85 = tpu.memref_slice %arg6[%scan3A_79, %dma_start3A_84] : memref<50x200xi32, #tpu.memory_space<vmem>> -> memref<1x200xi32, #tpu.memory_space<vmem>>
      %dma_start3A_86 = tpu.memref_squeeze %dma_start3A_85 : memref<1x200xi32, #tpu.memory_space<vmem>> -> memref<200xi32, #tpu.memory_space<vmem>>
      %dma_start3A_87 = tpu.memref_slice %arg2[%dma_start3A_83, %add3A_82] : memref<2x320000xi32, #tpu.memory_space<hbm>> -> memref<1x200xi32, #tpu.memory_space<hbm>>
      %dma_start3A_88 = tpu.memref_squeeze %dma_start3A_87 : memref<1x200xi32, #tpu.memory_space<hbm>> -> memref<200xi32, #tpu.memory_space<hbm>>
      %dma_start3A_89 = arith.constant 0 : i32
      %dma_start3A_90 = tpu.memref_slice %arg6[%scan3A_79, %dma_start3A_89] : memref<50x200xi32, #tpu.memory_space<vmem>> -> memref<1x200xi32, #tpu.memory_space<vmem>>
      %dma_start3A_91 = tpu.memref_squeeze %dma_start3A_90 : memref<1x200xi32, #tpu.memory_space<vmem>> -> memref<200xi32, #tpu.memory_space<vmem>>
      %dma_start3A_92 = tpu.memref_slice %arg2[%dma_start3A_83, %add3A_82] : memref<2x320000xi32, #tpu.memory_space<hbm>> -> memref<1x200xi32, #tpu.memory_space<hbm>>
      %dma_start3A_93 = tpu.memref_squeeze %dma_start3A_92 : memref<1x200xi32, #tpu.memory_space<hbm>> -> memref<200xi32, #tpu.memory_space<hbm>>
      tpu.enqueue_dma source(%dma_start3A_93 : memref<200xi32, #tpu.memory_space<hbm>>) target(%dma_start3A_91 : memref<200xi32, #tpu.memory_space<vmem>>) target_semaphore(%arg9 : memref<!tpu.dma_semaphore, #tpu.memory_space<semaphore_mem>>)
      %dma_start3A_94 = arith.constant 1 : i32
      %dma_start3A_95 = arith.constant 0 : i32
      %dma_start3A_96 = tpu.memref_slice %arg7[%scan3A_79, %dma_start3A_95] : memref<50x200xi32, #tpu.memory_space<vmem>> -> memref<1x200xi32, #tpu.memory_space<vmem>>
      %dma_start3A_97 = tpu.memref_squeeze %dma_start3A_96 : memref<1x200xi32, #tpu.memory_space<vmem>> -> memref<200xi32, #tpu.memory_space<vmem>>
      %dma_start3A_98 = tpu.memref_slice %arg2[%dma_start3A_94, %add3A_82] : memref<2x320000xi32, #tpu.memory_space<hbm>> -> memref<1x200xi32, #tpu.memory_space<hbm>>
      %dma_start3A_99 = tpu.memref_squeeze %dma_start3A_98 : memref<1x200xi32, #tpu.memory_space<hbm>> -> memref<200xi32, #tpu.memory_space<hbm>>
      %dma_start3A_100 = arith.constant 0 : i32
      %dma_start3A_101 = tpu.memref_slice %arg7[%scan3A_79, %dma_start3A_100] : memref<50x200xi32, #tpu.memory_space<vmem>> -> memref<1x200xi32, #tpu.memory_space<vmem>>
      %dma_start3A_102 = tpu.memref_squeeze %dma_start3A_101 : memref<1x200xi32, #tpu.memory_space<vmem>> -> memref<200xi32, #tpu.memory_space<vmem>>
      %dma_start3A_103 = tpu.memref_slice %arg2[%dma_start3A_94, %add3A_82] : memref<2x320000xi32, #tpu.memory_space<hbm>> -> memref<1x200xi32, #tpu.memory_space<hbm>>
      %dma_start3A_104 = tpu.memref_squeeze %dma_start3A_103 : memref<1x200xi32, #tpu.memory_space<hbm>> -> memref<200xi32, #tpu.memory_space<hbm>>
      tpu.enqueue_dma source(%dma_start3A_104 : memref<200xi32, #tpu.memory_space<hbm>>) target(%dma_start3A_102 : memref<200xi32, #tpu.memory_space<vmem>>) target_semaphore(%arg9 : memref<!tpu.dma_semaphore, #tpu.memory_space<semaphore_mem>>)
    }
    %scan3A_7 = arith.constant 50 : i32
    %mul3A_8 = arith.constant 632 : i32
    %mul3A_9 = arith.muli %arg1, %mul3A_8 : i32
    %mul3A_10 = arith.constant 632 : i32
    %mul3A_11 = arith.muli %arg1, %mul3A_10 : i32
    "tpu.region"() ({
      %run_scoped3A = tpu.sem_alloc : memref<!tpu.dma_semaphore, #tpu.memory_space<semaphore_mem>>
      %dma_start3A_79 = arith.constant 0 : i32
      %dma_start3A_80 = tpu.memref_slice %arg10[%mul3A_11, %dma_start3A_79] : memref<10112x64xf32, #tpu.memory_space<vmem_shared>> -> memref<632x64xf32, #tpu.memory_space<vmem_shared>>
      %dma_start3A_81 = arith.constant 0 : i32
      %dma_start3A_82 = tpu.memref_slice %arg4[%mul3A_9, %dma_start3A_81] : memref<10112x64xf32, #tpu.memory_space<hbm>> -> memref<632x64xf32, #tpu.memory_space<hbm>>
      tpu.enqueue_dma source(%dma_start3A_82 : memref<632x64xf32, #tpu.memory_space<hbm>>) target(%dma_start3A_80 : memref<632x64xf32, #tpu.memory_space<vmem_shared>>) target_semaphore(%run_scoped3A : memref<!tpu.dma_semaphore, #tpu.memory_space<semaphore_mem>>)
      %dma_wait3A = arith.constant 0 : i32
      %dma_wait3A_83 = tpu.memref_slice %arg10[%mul3A_11, %dma_wait3A] : memref<10112x64xf32, #tpu.memory_space<vmem_shared>> -> memref<632x64xf32, #tpu.memory_space<vmem_shared>>
      %dma_wait3A_84 = arith.constant 0 : i32
      %dma_wait3A_85 = tpu.memref_slice %arg4[%mul3A_9, %dma_wait3A_84] : memref<10112x64xf32, #tpu.memory_space<hbm>> -> memref<632x64xf32, #tpu.memory_space<hbm>>
      tpu.wait_dma2 semaphore(%run_scoped3A : memref<!tpu.dma_semaphore, #tpu.memory_space<semaphore_mem>>) src(%dma_wait3A_85 : memref<632x64xf32, #tpu.memory_space<hbm>>) dst(%dma_wait3A_83 : memref<632x64xf32, #tpu.memory_space<vmem_shared>>)
      tpu.yield
    }) : () -> ()
    %scan3A_12 = arith.constant 0 : i32
    %scan3A_13 = arith.constant 0 : i32
    %scan3A_14 = arith.constant 50 : i32
    %scan3A_15 = arith.addi %scan3A_13, %scan3A_14 : i32
    %scan3A_16 = arith.constant 1 : i32
    scf.for %scan3A_79 = %scan3A_13 to %scan3A_15 step %scan3A_16  : i32 {
      %dma_wait3A = arith.constant 0 : i32
      %dma_wait3A_80 = arith.constant 0 : i32
      %dma_wait3A_81 = tpu.memref_slice %arg6[%scan3A_79, %dma_wait3A_80] : memref<50x200xi32, #tpu.memory_space<vmem>> -> memref<1x200xi32, #tpu.memory_space<vmem>>
      %dma_wait3A_82 = tpu.memref_squeeze %dma_wait3A_81 : memref<1x200xi32, #tpu.memory_space<vmem>> -> memref<200xi32, #tpu.memory_space<vmem>>
      %dma_wait3A_83 = tpu.memref_slice %arg2[%dma_wait3A, %mul3A_2] : memref<2x320000xi32, #tpu.memory_space<hbm>> -> memref<1x200xi32, #tpu.memory_space<hbm>>
      %dma_wait3A_84 = tpu.memref_squeeze %dma_wait3A_83 : memref<1x200xi32, #tpu.memory_space<hbm>> -> memref<200xi32, #tpu.memory_space<hbm>>
      %dma_wait3A_85 = arith.constant 0 : i32
      %dma_wait3A_86 = tpu.memref_slice %arg6[%scan3A_79, %dma_wait3A_85] : memref<50x200xi32, #tpu.memory_space<vmem>> -> memref<1x200xi32, #tpu.memory_space<vmem>>
      %dma_wait3A_87 = tpu.memref_squeeze %dma_wait3A_86 : memref<1x200xi32, #tpu.memory_space<vmem>> -> memref<200xi32, #tpu.memory_space<vmem>>
      %dma_wait3A_88 = tpu.memref_slice %arg2[%dma_wait3A, %mul3A_2] : memref<2x320000xi32, #tpu.memory_space<hbm>> -> memref<1x200xi32, #tpu.memory_space<hbm>>
      %dma_wait3A_89 = tpu.memref_squeeze %dma_wait3A_88 : memref<1x200xi32, #tpu.memory_space<hbm>> -> memref<200xi32, #tpu.memory_space<hbm>>
      tpu.wait_dma2 semaphore(%arg9 : memref<!tpu.dma_semaphore, #tpu.memory_space<semaphore_mem>>) src(%dma_wait3A_89 : memref<200xi32, #tpu.memory_space<hbm>>) dst(%dma_wait3A_87 : memref<200xi32, #tpu.memory_space<vmem>>)
      %dma_wait3A_90 = arith.constant 1 : i32
      %dma_wait3A_91 = arith.constant 0 : i32
      %dma_wait3A_92 = tpu.memref_slice %arg7[%scan3A_79, %dma_wait3A_91] : memref<50x200xi32, #tpu.memory_space<vmem>> -> memref<1x200xi32, #tpu.memory_space<vmem>>
      %dma_wait3A_93 = tpu.memref_squeeze %dma_wait3A_92 : memref<1x200xi32, #tpu.memory_space<vmem>> -> memref<200xi32, #tpu.memory_space<vmem>>
      %dma_wait3A_94 = tpu.memref_slice %arg2[%dma_wait3A_90, %mul3A_2] : memref<2x320000xi32, #tpu.memory_space<hbm>> -> memref<1x200xi32, #tpu.memory_space<hbm>>
      %dma_wait3A_95 = tpu.memref_squeeze %dma_wait3A_94 : memref<1x200xi32, #tpu.memory_space<hbm>> -> memref<200xi32, #tpu.memory_space<hbm>>
      %dma_wait3A_96 = arith.constant 0 : i32
      %dma_wait3A_97 = tpu.memref_slice %arg7[%scan3A_79, %dma_wait3A_96] : memref<50x200xi32, #tpu.memory_space<vmem>> -> memref<1x200xi32, #tpu.memory_space<vmem>>
      %dma_wait3A_98 = tpu.memref_squeeze %dma_wait3A_97 : memref<1x200xi32, #tpu.memory_space<vmem>> -> memref<200xi32, #tpu.memory_space<vmem>>
      %dma_wait3A_99 = tpu.memref_slice %arg2[%dma_wait3A_90, %mul3A_2] : memref<2x320000xi32, #tpu.memory_space<hbm>> -> memref<1x200xi32, #tpu.memory_space<hbm>>
      %dma_wait3A_100 = tpu.memref_squeeze %dma_wait3A_99 : memref<1x200xi32, #tpu.memory_space<hbm>> -> memref<200xi32, #tpu.memory_space<hbm>>
      tpu.wait_dma2 semaphore(%arg9 : memref<!tpu.dma_semaphore, #tpu.memory_space<semaphore_mem>>) src(%dma_wait3A_100 : memref<200xi32, #tpu.memory_space<hbm>>) dst(%dma_wait3A_98 : memref<200xi32, #tpu.memory_space<vmem>>)
    }
    %scan3A_17 = arith.constant 50 : i32
    %barrier3A = arith.constant 0 : index
    tpu.barrier barrier_id(%barrier3A)
    %dma_start3A = arith.constant 0 : i32
    %dma_start3A_18 = arith.constant 0 : i32
    %dma_start3A_19 = arith.constant 0 : i32
    %dma_start3A_20 = arith.constant 0 : i32
    %dma_start3A_21 = arith.constant 0 : i32
    %dma_start3A_22 = tpu.memref_slice %arg8[%dma_start3A_18, %dma_start3A_20, %dma_start3A_21] : memref<4x200x64xf32, #tpu.memory_space<vmem>> -> memref<1x200x64xf32, #tpu.memory_space<vmem>>
    %dma_start3A_23 = tpu.memref_squeeze %dma_start3A_22 : memref<1x200x64xf32, #tpu.memory_space<vmem>> -> memref<200x64xf32, #tpu.memory_space<vmem>>
    %dma_start3A_24 = arith.constant 0 : i32
    %dma_start3A_25 = tpu.memref_slice %arg6[%dma_start3A, %dma_start3A_24] : memref<50x200xi32, #tpu.memory_space<vmem>> -> memref<1x200xi32, #tpu.memory_space<vmem>>
    %dma_start3A_26 = tpu.memref_squeeze %dma_start3A_25 : memref<1x200xi32, #tpu.memory_space<vmem>> -> memref<200xi32, #tpu.memory_space<vmem>>
    %dma_start3A_27 = arith.constant 0 : i32
    %dma_start3A_28 = arith.constant 0 : i32
    %dma_start3A_29 = tpu.memref_slice %arg3[%dma_start3A_27, %dma_start3A_28] : memref<10000x64xf32, #tpu.memory_space<hbm>> -> memref<10000x64xf32, #tpu.memory_space<hbm>>
    %dma_start3A_30 = tpu.memref_slice %arg11[%dma_start3A_19] : memref<4x!tpu.dma_semaphore, #tpu.memory_space<semaphore_mem>> -> memref<1x!tpu.dma_semaphore, #tpu.memory_space<semaphore_mem>>
    %dma_start3A_31 = tpu.memref_squeeze %dma_start3A_30 : memref<1x!tpu.dma_semaphore, #tpu.memory_space<semaphore_mem>> -> memref<!tpu.dma_semaphore, #tpu.memory_space<semaphore_mem>>
    tpu.enqueue_indirect_dma source(%dma_start3A_29 : memref<10000x64xf32, #tpu.memory_space<hbm>>) target(%dma_start3A_23 : memref<200x64xf32, #tpu.memory_space<vmem>>) offsets(%dma_start3A_26 : memref<200xi32, #tpu.memory_space<vmem>>) semaphore(%dma_start3A_31 : memref<!tpu.dma_semaphore, #tpu.memory_space<semaphore_mem>>)
    %dma_start3A_32 = arith.constant 1 : i32
    %dma_start3A_33 = arith.constant 1 : i32
    %dma_start3A_34 = arith.constant 1 : i32
    %dma_start3A_35 = arith.constant 0 : i32
    %dma_start3A_36 = arith.constant 0 : i32
    %dma_start3A_37 = tpu.memref_slice %arg8[%dma_start3A_33, %dma_start3A_35, %dma_start3A_36] : memref<4x200x64xf32, #tpu.memory_space<vmem>> -> memref<1x200x64xf32, #tpu.memory_space<vmem>>
    %dma_start3A_38 = tpu.memref_squeeze %dma_start3A_37 : memref<1x200x64xf32, #tpu.memory_space<vmem>> -> memref<200x64xf32, #tpu.memory_space<vmem>>
    %dma_start3A_39 = arith.constant 0 : i32
    %dma_start3A_40 = tpu.memref_slice %arg6[%dma_start3A_32, %dma_start3A_39] : memref<50x200xi32, #tpu.memory_space<vmem>> -> memref<1x200xi32, #tpu.memory_space<vmem>>
    %dma_start3A_41 = tpu.memref_squeeze %dma_start3A_40 : memref<1x200xi32, #tpu.memory_space<vmem>> -> memref<200xi32, #tpu.memory_space<vmem>>
    %dma_start3A_42 = arith.constant 0 : i32
    %dma_start3A_43 = arith.constant 0 : i32
    %dma_start3A_44 = tpu.memref_slice %arg3[%dma_start3A_42, %dma_start3A_43] : memref<10000x64xf32, #tpu.memory_space<hbm>> -> memref<10000x64xf32, #tpu.memory_space<hbm>>
    %dma_start3A_45 = tpu.memref_slice %arg11[%dma_start3A_34] : memref<4x!tpu.dma_semaphore, #tpu.memory_space<semaphore_mem>> -> memref<1x!tpu.dma_semaphore, #tpu.memory_space<semaphore_mem>>
    %dma_start3A_46 = tpu.memref_squeeze %dma_start3A_45 : memref<1x!tpu.dma_semaphore, #tpu.memory_space<semaphore_mem>> -> memref<!tpu.dma_semaphore, #tpu.memory_space<semaphore_mem>>
    tpu.enqueue_indirect_dma source(%dma_start3A_44 : memref<10000x64xf32, #tpu.memory_space<hbm>>) target(%dma_start3A_38 : memref<200x64xf32, #tpu.memory_space<vmem>>) offsets(%dma_start3A_41 : memref<200xi32, #tpu.memory_space<vmem>>) semaphore(%dma_start3A_46 : memref<!tpu.dma_semaphore, #tpu.memory_space<semaphore_mem>>)
    %dma_start3A_47 = arith.constant 2 : i32
    %dma_start3A_48 = arith.constant 2 : i32
    %dma_start3A_49 = arith.constant 2 : i32
    %dma_start3A_50 = arith.constant 0 : i32
    %dma_start3A_51 = arith.constant 0 : i32
    %dma_start3A_52 = tpu.memref_slice %arg8[%dma_start3A_48, %dma_start3A_50, %dma_start3A_51] : memref<4x200x64xf32, #tpu.memory_space<vmem>> -> memref<1x200x64xf32, #tpu.memory_space<vmem>>
    %dma_start3A_53 = tpu.memref_squeeze %dma_start3A_52 : memref<1x200x64xf32, #tpu.memory_space<vmem>> -> memref<200x64xf32, #tpu.memory_space<vmem>>
    %dma_start3A_54 = arith.constant 0 : i32
    %dma_start3A_55 = tpu.memref_slice %arg6[%dma_start3A_47, %dma_start3A_54] : memref<50x200xi32, #tpu.memory_space<vmem>> -> memref<1x200xi32, #tpu.memory_space<vmem>>
    %dma_start3A_56 = tpu.memref_squeeze %dma_start3A_55 : memref<1x200xi32, #tpu.memory_space<vmem>> -> memref<200xi32, #tpu.memory_space<vmem>>
    %dma_start3A_57 = arith.constant 0 : i32
    %dma_start3A_58 = arith.constant 0 : i32
    %dma_start3A_59 = tpu.memref_slice %arg3[%dma_start3A_57, %dma_start3A_58] : memref<10000x64xf32, #tpu.memory_space<hbm>> -> memref<10000x64xf32, #tpu.memory_space<hbm>>
    %dma_start3A_60 = tpu.memref_slice %arg11[%dma_start3A_49] : memref<4x!tpu.dma_semaphore, #tpu.memory_space<semaphore_mem>> -> memref<1x!tpu.dma_semaphore, #tpu.memory_space<semaphore_mem>>
    %dma_start3A_61 = tpu.memref_squeeze %dma_start3A_60 : memref<1x!tpu.dma_semaphore, #tpu.memory_space<semaphore_mem>> -> memref<!tpu.dma_semaphore, #tpu.memory_space<semaphore_mem>>
    tpu.enqueue_indirect_dma source(%dma_start3A_59 : memref<10000x64xf32, #tpu.memory_space<hbm>>) target(%dma_start3A_53 : memref<200x64xf32, #tpu.memory_space<vmem>>) offsets(%dma_start3A_56 : memref<200xi32, #tpu.memory_space<vmem>>) semaphore(%dma_start3A_61 : memref<!tpu.dma_semaphore, #tpu.memory_space<semaphore_mem>>)
    %scan3A_62 = arith.constant 0 : i32
    %scan3A_63 = arith.constant 0 : i32
    %scan3A_64 = arith.constant 50 : i32
    %scan3A_65 = arith.addi %scan3A_63, %scan3A_64 : i32
    %scan3A_66 = arith.constant 1 : i32
    scf.for %scan3A_79 = %scan3A_63 to %scan3A_65 step %scan3A_66  : i32 {
      %rem3A = arith.constant 4 : i32
      %rem3A_80 = arith.remsi %scan3A_79, %rem3A : i32
      %dma_wait3A = arith.constant 0 : i32
      %dma_wait3A_81 = arith.constant 0 : i32
      %dma_wait3A_82 = tpu.memref_slice %arg8[%rem3A_80, %dma_wait3A, %dma_wait3A_81] : memref<4x200x64xf32, #tpu.memory_space<vmem>> -> memref<1x200x64xf32, #tpu.memory_space<vmem>>
      %dma_wait3A_83 = tpu.memref_squeeze %dma_wait3A_82 : memref<1x200x64xf32, #tpu.memory_space<vmem>> -> memref<200x64xf32, #tpu.memory_space<vmem>>
      %dma_wait3A_84 = arith.constant 0 : i32
      %dma_wait3A_85 = tpu.memref_slice %arg6[%scan3A_79, %dma_wait3A_84] : memref<50x200xi32, #tpu.memory_space<vmem>> -> memref<1x200xi32, #tpu.memory_space<vmem>>
      %dma_wait3A_86 = tpu.memref_squeeze %dma_wait3A_85 : memref<1x200xi32, #tpu.memory_space<vmem>> -> memref<200xi32, #tpu.memory_space<vmem>>
      %dma_wait3A_87 = arith.constant 0 : i32
      %dma_wait3A_88 = arith.constant 0 : i32
      %dma_wait3A_89 = tpu.memref_slice %arg3[%dma_wait3A_87, %dma_wait3A_88] : memref<10000x64xf32, #tpu.memory_space<hbm>> -> memref<10000x64xf32, #tpu.memory_space<hbm>>
      %dma_wait3A_90 = tpu.memref_slice %arg11[%rem3A_80] : memref<4x!tpu.dma_semaphore, #tpu.memory_space<semaphore_mem>> -> memref<1x!tpu.dma_semaphore, #tpu.memory_space<semaphore_mem>>
      %dma_wait3A_91 = tpu.memref_squeeze %dma_wait3A_90 : memref<1x!tpu.dma_semaphore, #tpu.memory_space<semaphore_mem>> -> memref<!tpu.dma_semaphore, #tpu.memory_space<semaphore_mem>>
      tpu.wait_indirect_dma semaphore(%dma_wait3A_91 : memref<!tpu.dma_semaphore, #tpu.memory_space<semaphore_mem>>) src(%dma_wait3A_89 : memref<10000x64xf32, #tpu.memory_space<hbm>>) dst(%dma_wait3A_83 : memref<200x64xf32, #tpu.memory_space<vmem>>)
      %dma_start3A_92 = arith.constant 0 : i32
      %dma_start3A_93 = arith.constant 0 : i32
      %dma_start3A_94 = tpu.memref_slice %arg8[%rem3A_80, %dma_start3A_92, %dma_start3A_93] : memref<4x200x64xf32, #tpu.memory_space<vmem>> -> memref<1x200x64xf32, #tpu.memory_space<vmem>>
      %dma_start3A_95 = tpu.memref_squeeze %dma_start3A_94 : memref<1x200x64xf32, #tpu.memory_space<vmem>> -> memref<200x64xf32, #tpu.memory_space<vmem>>
      %dma_start3A_96 = arith.constant 0 : i32
      %dma_start3A_97 = tpu.memref_slice %arg7[%scan3A_79, %dma_start3A_96] : memref<50x200xi32, #tpu.memory_space<vmem>> -> memref<1x200xi32, #tpu.memory_space<vmem>>
      %dma_start3A_98 = tpu.memref_squeeze %dma_start3A_97 : memref<1x200xi32, #tpu.memory_space<vmem>> -> memref<200xi32, #tpu.memory_space<vmem>>
      %dma_start3A_99 = arith.constant 0 : i32
      %dma_start3A_100 = arith.constant 0 : i32
      %dma_start3A_101 = tpu.memref_slice %arg10[%dma_start3A_99, %dma_start3A_100] : memref<10112x64xf32, #tpu.memory_space<vmem_shared>> -> memref<10112x64xf32, #tpu.memory_space<vmem_shared>>
      %dma_start3A_102 = tpu.memref_slice %arg12[%rem3A_80] : memref<4x!tpu.dma_semaphore, #tpu.memory_space<semaphore_mem>> -> memref<1x!tpu.dma_semaphore, #tpu.memory_space<semaphore_mem>>
      %dma_start3A_103 = tpu.memref_squeeze %dma_start3A_102 : memref<1x!tpu.dma_semaphore, #tpu.memory_space<semaphore_mem>> -> memref<!tpu.dma_semaphore, #tpu.memory_space<semaphore_mem>>
      tpu.enqueue_indirect_dma source(%dma_start3A_95 : memref<200x64xf32, #tpu.memory_space<vmem>>) target(%dma_start3A_101 : memref<10112x64xf32, #tpu.memory_space<vmem_shared>>) offsets(%dma_start3A_98 : memref<200xi32, #tpu.memory_space<vmem>>) semaphore(%dma_start3A_103 : memref<!tpu.dma_semaphore, #tpu.memory_space<semaphore_mem>>) {add = true}
      %add3A_104 = arith.constant 4 : i32
      %add3A_105 = arith.addi %scan3A_79, %add3A_104 : i32
      %sub3A = arith.constant 1 : i32
      %sub3A_106 = arith.subi %add3A_105, %sub3A : i32
      %rem3A_107 = arith.constant 4 : i32
      %rem3A_108 = arith.remsi %sub3A_106, %rem3A_107 : i32
      %lt3A = arith.constant 50 : i32
      %lt3A_109 = arith.cmpi slt, %sub3A_106, %lt3A : i32
      %convert_element_type3A = arith.extui %lt3A_109 : i1 to i32
      %cond3A = arith.constant 0 : i32
      %cond3A_110 = arith.cmpi ne, %convert_element_type3A, %cond3A : i32
      scf.if %cond3A_110 {
        %ge3A = arith.constant 1 : i32
        %ge3A_111 = arith.cmpi sge, %scan3A_79, %ge3A : i32
        %convert_element_type3A_112 = arith.extui %ge3A_111 : i1 to i32
        %cond3A_113 = arith.constant 0 : i32
        %cond3A_114 = arith.cmpi ne, %convert_element_type3A_112, %cond3A_113 : i32
        scf.if %cond3A_114 {
          %sub3A_127 = arith.constant 1 : i32
          %sub3A_128 = arith.subi %scan3A_79, %sub3A_127 : i32
          %dma_wait3A_129 = arith.constant 0 : i32
          %dma_wait3A_130 = arith.constant 0 : i32
          %dma_wait3A_131 = tpu.memref_slice %arg8[%rem3A_108, %dma_wait3A_129, %dma_wait3A_130] : memref<4x200x64xf32, #tpu.memory_space<vmem>> -> memref<1x200x64xf32, #tpu.memory_space<vmem>>
          %dma_wait3A_132 = tpu.memref_squeeze %dma_wait3A_131 : memref<1x200x64xf32, #tpu.memory_space<vmem>> -> memref<200x64xf32, #tpu.memory_space<vmem>>
          %dma_wait3A_133 = arith.constant 0 : i32
          %dma_wait3A_134 = tpu.memref_slice %arg7[%sub3A_128, %dma_wait3A_133] : memref<50x200xi32, #tpu.memory_space<vmem>> -> memref<1x200xi32, #tpu.memory_space<vmem>>
          %dma_wait3A_135 = tpu.memref_squeeze %dma_wait3A_134 : memref<1x200xi32, #tpu.memory_space<vmem>> -> memref<200xi32, #tpu.memory_space<vmem>>
          %dma_wait3A_136 = arith.constant 0 : i32
          %dma_wait3A_137 = arith.constant 0 : i32
          %dma_wait3A_138 = tpu.memref_slice %arg10[%dma_wait3A_136, %dma_wait3A_137] : memref<10112x64xf32, #tpu.memory_space<vmem_shared>> -> memref<10112x64xf32, #tpu.memory_space<vmem_shared>>
          %dma_wait3A_139 = tpu.memref_slice %arg12[%rem3A_108] : memref<4x!tpu.dma_semaphore, #tpu.memory_space<semaphore_mem>> -> memref<1x!tpu.dma_semaphore, #tpu.memory_space<semaphore_mem>>
          %dma_wait3A_140 = tpu.memref_squeeze %dma_wait3A_139 : memref<1x!tpu.dma_semaphore, #tpu.memory_space<semaphore_mem>> -> memref<!tpu.dma_semaphore, #tpu.memory_space<semaphore_mem>>
          tpu.wait_indirect_dma semaphore(%dma_wait3A_140 : memref<!tpu.dma_semaphore, #tpu.memory_space<semaphore_mem>>) src(%dma_wait3A_132 : memref<200x64xf32, #tpu.memory_space<vmem>>) dst(%dma_wait3A_138 : memref<10112x64xf32, #tpu.memory_space<vmem_shared>>)
        } else {
        }
        %dma_start3A_115 = arith.constant 0 : i32
        %dma_start3A_116 = arith.constant 0 : i32
        %dma_start3A_117 = tpu.memref_slice %arg8[%rem3A_108, %dma_start3A_115, %dma_start3A_116] : memref<4x200x64xf32, #tpu.memory_space<vmem>> -> memref<1x200x64xf32, #tpu.memory_space<vmem>>
        %dma_start3A_118 = tpu.memref_squeeze %dma_start3A_117 : memref<1x200x64xf32, #tpu.memory_space<vmem>> -> memref<200x64xf32, #tpu.memory_space<vmem>>
        %dma_start3A_119 = arith.constant 0 : i32
        %dma_start3A_120 = tpu.memref_slice %arg6[%sub3A_106, %dma_start3A_119] : memref<50x200xi32, #tpu.memory_space<vmem>> -> memref<1x200xi32, #tpu.memory_space<vmem>>
        %dma_start3A_121 = tpu.memref_squeeze %dma_start3A_120 : memref<1x200xi32, #tpu.memory_space<vmem>> -> memref<200xi32, #tpu.memory_space<vmem>>
        %dma_start3A_122 = arith.constant 0 : i32
        %dma_start3A_123 = arith.constant 0 : i32
        %dma_start3A_124 = tpu.memref_slice %arg3[%dma_start3A_122, %dma_start3A_123] : memref<10000x64xf32, #tpu.memory_space<hbm>> -> memref<10000x64xf32, #tpu.memory_space<hbm>>
        %dma_start3A_125 = tpu.memref_slice %arg11[%rem3A_108] : memref<4x!tpu.dma_semaphore, #tpu.memory_space<semaphore_mem>> -> memref<1x!tpu.dma_semaphore, #tpu.memory_space<semaphore_mem>>
        %dma_start3A_126 = tpu.memref_squeeze %dma_start3A_125 : memref<1x!tpu.dma_semaphore, #tpu.memory_space<semaphore_mem>> -> memref<!tpu.dma_semaphore, #tpu.memory_space<semaphore_mem>>
        tpu.enqueue_indirect_dma source(%dma_start3A_124 : memref<10000x64xf32, #tpu.memory_space<hbm>>) target(%dma_start3A_118 : memref<200x64xf32, #tpu.memory_space<vmem>>) offsets(%dma_start3A_121 : memref<200xi32, #tpu.memory_space<vmem>>) semaphore(%dma_start3A_126 : memref<!tpu.dma_semaphore, #tpu.memory_space<semaphore_mem>>)
      } else {
      }
    }
    %scan3A_67 = arith.constant 50 : i32
    %scan3A_68 = arith.constant 0 : i32
    %scan3A_69 = arith.constant 0 : i32
    %scan3A_70 = arith.constant 4 : i32
    %scan3A_71 = arith.addi %scan3A_69, %scan3A_70 : i32
    %scan3A_72 = arith.constant 1 : i32
    scf.for %scan3A_79 = %scan3A_69 to %scan3A_71 step %scan3A_72  : i32 {
      %add3A_80 = arith.constant 46 : i32
      %add3A_81 = arith.addi %add3A_80, %scan3A_79 : i32
      %rem3A = arith.constant 4 : i32
      %rem3A_82 = arith.remsi %add3A_81, %rem3A : i32
      %ge3A = arith.constant 0 : i32
      %ge3A_83 = arith.cmpi sge, %add3A_81, %ge3A : i32
      %convert_element_type3A = arith.extui %ge3A_83 : i1 to i32
      %cond3A = arith.constant 0 : i32
      %cond3A_84 = arith.cmpi ne, %convert_element_type3A, %cond3A : i32
      scf.if %cond3A_84 {
        %dma_wait3A = arith.constant 0 : i32
        %dma_wait3A_85 = arith.constant 0 : i32
        %dma_wait3A_86 = tpu.memref_slice %arg8[%rem3A_82, %dma_wait3A, %dma_wait3A_85] : memref<4x200x64xf32, #tpu.memory_space<vmem>> -> memref<1x200x64xf32, #tpu.memory_space<vmem>>
        %dma_wait3A_87 = tpu.memref_squeeze %dma_wait3A_86 : memref<1x200x64xf32, #tpu.memory_space<vmem>> -> memref<200x64xf32, #tpu.memory_space<vmem>>
        %dma_wait3A_88 = arith.constant 0 : i32
        %dma_wait3A_89 = tpu.memref_slice %arg7[%add3A_81, %dma_wait3A_88] : memref<50x200xi32, #tpu.memory_space<vmem>> -> memref<1x200xi32, #tpu.memory_space<vmem>>
        %dma_wait3A_90 = tpu.memref_squeeze %dma_wait3A_89 : memref<1x200xi32, #tpu.memory_space<vmem>> -> memref<200xi32, #tpu.memory_space<vmem>>
        %dma_wait3A_91 = arith.constant 0 : i32
        %dma_wait3A_92 = arith.constant 0 : i32
        %dma_wait3A_93 = tpu.memref_slice %arg10[%dma_wait3A_91, %dma_wait3A_92] : memref<10112x64xf32, #tpu.memory_space<vmem_shared>> -> memref<10112x64xf32, #tpu.memory_space<vmem_shared>>
        %dma_wait3A_94 = tpu.memref_slice %arg12[%rem3A_82] : memref<4x!tpu.dma_semaphore, #tpu.memory_space<semaphore_mem>> -> memref<1x!tpu.dma_semaphore, #tpu.memory_space<semaphore_mem>>
        %dma_wait3A_95 = tpu.memref_squeeze %dma_wait3A_94 : memref<1x!tpu.dma_semaphore, #tpu.memory_space<semaphore_mem>> -> memref<!tpu.dma_semaphore, #tpu.memory_space<semaphore_mem>>
        tpu.wait_indirect_dma semaphore(%dma_wait3A_95 : memref<!tpu.dma_semaphore, #tpu.memory_space<semaphore_mem>>) src(%dma_wait3A_87 : memref<200x64xf32, #tpu.memory_space<vmem>>) dst(%dma_wait3A_93 : memref<10112x64xf32, #tpu.memory_space<vmem_shared>>)
      } else {
      }
    }
    %scan3A_73 = arith.constant 4 : i32
    %barrier3A_74 = arith.constant 0 : index
    tpu.barrier barrier_id(%barrier3A_74)
    %mul3A_75 = arith.constant 632 : i32
    %mul3A_76 = arith.muli %arg1, %mul3A_75 : i32
    %mul3A_77 = arith.constant 632 : i32
    %mul3A_78 = arith.muli %arg1, %mul3A_77 : i32
    "tpu.region"() ({
      %run_scoped3A = tpu.sem_alloc : memref<!tpu.dma_semaphore, #tpu.memory_space<semaphore_mem>>
      %dma_start3A_79 = arith.constant 0 : i32
      %dma_start3A_80 = tpu.memref_slice %arg5[%arg0, %mul3A_78, %dma_start3A_79] : memref<2x10112x128xf32, #tpu.memory_space<hbm>> -> memref<1x632x64xf32, #tpu.memory_space<hbm>>
      %dma_start3A_81 = tpu.memref_squeeze %dma_start3A_80 : memref<1x632x64xf32, #tpu.memory_space<hbm>> -> memref<632x64xf32, #tpu.memory_space<hbm>>
      %dma_start3A_82 = arith.constant 0 : i32
      %dma_start3A_83 = tpu.memref_slice %arg10[%mul3A_76, %dma_start3A_82] : memref<10112x64xf32, #tpu.memory_space<vmem_shared>> -> memref<632x64xf32, #tpu.memory_space<vmem_shared>>
      tpu.enqueue_dma source(%dma_start3A_83 : memref<632x64xf32, #tpu.memory_space<vmem_shared>>) target(%dma_start3A_81 : memref<632x64xf32, #tpu.memory_space<hbm>>) target_semaphore(%run_scoped3A : memref<!tpu.dma_semaphore, #tpu.memory_space<semaphore_mem>>)
      %dma_wait3A = arith.constant 0 : i32
      %dma_wait3A_84 = tpu.memref_slice %arg5[%arg0, %mul3A_78, %dma_wait3A] : memref<2x10112x128xf32, #tpu.memory_space<hbm>> -> memref<1x632x64xf32, #tpu.memory_space<hbm>>
      %dma_wait3A_85 = tpu.memref_squeeze %dma_wait3A_84 : memref<1x632x64xf32, #tpu.memory_space<hbm>> -> memref<632x64xf32, #tpu.memory_space<hbm>>
      %dma_wait3A_86 = arith.constant 0 : i32
      %dma_wait3A_87 = tpu.memref_slice %arg10[%mul3A_76, %dma_wait3A_86] : memref<10112x64xf32, #tpu.memory_space<vmem_shared>> -> memref<632x64xf32, #tpu.memory_space<vmem_shared>>
      tpu.wait_dma2 semaphore(%run_scoped3A : memref<!tpu.dma_semaphore, #tpu.memory_space<semaphore_mem>>) src(%dma_wait3A_87 : memref<632x64xf32, #tpu.memory_space<vmem_shared>>) dst(%dma_wait3A_85 : memref<632x64xf32, #tpu.memory_space<hbm>>)
      tpu.yield
    }) : () -> ()
    return
  }
}

module attributes {stable_mosaic.version = 14 : i64} {
  func.func @_tc1_body(%arg0: i32, %arg1: memref<2x2000x128xf32, #tpu.memory_space<vmem>>, %arg2: memref<2000x128xf32, #tpu.memory_space<vmem>>, %arg3: memref<128x64xf32, #tpu.memory_space<vmem>>, %arg4: memref<2000x1xf32, #tpu.memory_space<vmem>>, %arg5: memref<2000x64xf32, #tpu.memory_space<vmem>>) attributes {dimension_semantics = [#tpu.dimension_semantics<arbitrary>], iteration_bounds = array<i64: 5>, scalar_prefetch = 0 : i64, scratch_operands = 0 : i64, tpu.core_type = #tpu.core_type<tc>, window_params = [{transform_indices = @transform_0, window_bounds = array<i64: 2, 2000, 128>}, {transform_indices = @transform_1, window_bounds = array<i64: 2000, 128>}, {pipeline_mode = #tpu.pipeline_mode<synchronous>, transform_indices = @transform_2, window_bounds = array<i64: 128, 64>}, {transform_indices = @transform_3, window_bounds = array<i64: 2000, 1>}, {transform_indices = @transform_4, window_bounds = array<i64: 2000, 64>}]} {
    %get3A = arith.constant 0 : index
    %get3A_0 = arith.constant 0 : index
    %get3A_1 = arith.constant 0 : index
    %get3A_2 = vector.load %arg1[%get3A, %get3A_0, %get3A_1] : memref<2x2000x128xf32, #tpu.memory_space<vmem>>, vector<1x2000x128xf32>
    %get3A_3 = vector.shape_cast %get3A_2 : vector<1x2000x128xf32> to vector<2000x128xf32>
    %slice3A = vector.extract_strided_slice %get3A_3 {offsets = [0, 0], sizes = [2000, 1], strides = [1, 1]} : vector<2000x128xf32> to vector<2000x1xf32>
    %get3A_4 = arith.constant 1 : index
    %get3A_5 = arith.constant 0 : index
    %get3A_6 = arith.constant 0 : index
    %get3A_7 = vector.load %arg1[%get3A_4, %get3A_5, %get3A_6] : memref<2x2000x128xf32, #tpu.memory_space<vmem>>, vector<1x2000x128xf32>
    %get3A_8 = vector.shape_cast %get3A_7 : vector<1x2000x128xf32> to vector<2000x128xf32>
    %slice3A_9 = vector.extract_strided_slice %get3A_8 {offsets = [0, 0], sizes = [2000, 1], strides = [1, 1]} : vector<2000x128xf32> to vector<2000x1xf32>
    %add3A = arith.addf %slice3A, %slice3A_9 : vector<2000x1xf32>
    %add3A_10 = arith.constant 1.000000e+00 : f32
    %add3A_11 = vector.broadcast %add3A_10 : f32 to vector<2000x1xf32>
    %add3A_12 = arith.addf %add3A, %add3A_11 : vector<2000x1xf32>
    %rsqrt3A = math.rsqrt %add3A_12 : vector<2000x1xf32>
    %get3A_13 = arith.constant 0 : index
    %get3A_14 = arith.constant 0 : index
    %get3A_15 = vector.load %arg2[%get3A_13, %get3A_14] : memref<2000x128xf32, #tpu.memory_space<vmem>>, vector<2000x128xf32>
    %get3A_16 = arith.constant 0 : index
    %get3A_17 = arith.constant 0 : index
    %get3A_18 = vector.load %arg3[%get3A_16, %get3A_17] : memref<128x64xf32, #tpu.memory_space<vmem>>, vector<128x64xf32>
    %dot_general3A = arith.constant dense<0.000000e+00> : vector<2000x64xf32>
    %dot_general3A_19 = tpu.matmul %get3A_15, %get3A_18, %dot_general3A {dimension_numbers = #tpu.dot_dimension_numbers<[1], [0], [0], [1], [0, 0, 1, 1], [], []>, transpose_lhs_hint = false} : vector<2000x128xf32>, vector<128x64xf32>, vector<2000x64xf32> -> vector<2000x64xf32>
    %swap3A = arith.constant 0 : index
    %swap3A_20 = arith.constant 0 : index
    %swap3A_21 = vector.load %arg4[%swap3A, %swap3A_20] : memref<2000x1xf32, #tpu.memory_space<vmem>>, vector<2000x1xf32>
    tpu.vector_store %arg4[%swap3A, %swap3A_20], %rsqrt3A {strides = array<i32>} : memref<2000x1xf32, #tpu.memory_space<vmem>>, vector<2000x1xf32>,
    %mul3A = vector.broadcast %rsqrt3A : vector<2000x1xf32> to vector<2000x64xf32>
    %mul3A_22 = arith.mulf %dot_general3A_19, %mul3A : vector<2000x64xf32>
    %swap3A_23 = arith.constant 0 : index
    %swap3A_24 = arith.constant 0 : index
    %swap3A_25 = vector.load %arg5[%swap3A_23, %swap3A_24] : memref<2000x64xf32, #tpu.memory_space<vmem>>, vector<2000x64xf32>
    tpu.vector_store %arg5[%swap3A_23, %swap3A_24], %mul3A_22 {strides = array<i32>} : memref<2000x64xf32, #tpu.memory_space<vmem>>, vector<2000x64xf32>,
    return
  }
  func.func @transform_0(%arg0: i32) -> (i32, i32, i32) {
    %c0_i32 = arith.constant 0 : i32
    %c0_i32_0 = arith.constant 0 : i32
    %c0_i32_1 = arith.constant 0 : i32
    return %c0_i32, %arg0, %c0_i32_0 : i32, i32, i32
  }
  func.func @transform_1(%arg0: i32) -> (i32, i32) {
    %c0_i32 = arith.constant 0 : i32
    %c0_i32_0 = arith.constant 0 : i32
    return %arg0, %c0_i32 : i32, i32
  }
  func.func @transform_2(%arg0: i32) -> (i32, i32) {
    %c0_i32 = arith.constant 0 : i32
    %c0_i32_0 = arith.constant 0 : i32
    %c0_i32_1 = arith.constant 0 : i32
    return %c0_i32, %c0_i32_0 : i32, i32
  }
  func.func @transform_3(%arg0: i32) -> (i32, i32) {
    %c0_i32 = arith.constant 0 : i32
    %c0_i32_0 = arith.constant 0 : i32
    return %arg0, %c0_i32 : i32, i32
  }
  func.func @transform_4(%arg0: i32) -> (i32, i32) {
    %c0_i32 = arith.constant 0 : i32
    %c0_i32_0 = arith.constant 0 : i32
    return %arg0, %c0_i32 : i32, i32
  }
}

module attributes {stable_mosaic.version = 14 : i64} {
  func.func @_tc2_body(%arg0: i32, %arg1: memref<2x2000x128xf32, #tpu.memory_space<vmem>>, %arg2: memref<2000x64xf32, #tpu.memory_space<vmem>>, %arg3: memref<2000x1xf32, #tpu.memory_space<vmem>>, %arg4: memref<1x64xf32, #tpu.memory_space<vmem>>, %arg5: memref<64x32xf32, #tpu.memory_space<vmem>>, %arg6: memref<2000x32xf32, #tpu.memory_space<vmem>>) attributes {dimension_semantics = [#tpu.dimension_semantics<arbitrary>], iteration_bounds = array<i64: 5>, scalar_prefetch = 0 : i64, scratch_operands = 0 : i64, tpu.core_type = #tpu.core_type<tc>, window_params = [{transform_indices = @transform_0, window_bounds = array<i64: 2, 2000, 128>}, {transform_indices = @transform_1, window_bounds = array<i64: 2000, 64>}, {transform_indices = @transform_2, window_bounds = array<i64: 2000, 1>}, {pipeline_mode = #tpu.pipeline_mode<synchronous>, transform_indices = @transform_3, window_bounds = array<i64: 1, 64>}, {pipeline_mode = #tpu.pipeline_mode<synchronous>, transform_indices = @transform_4, window_bounds = array<i64: 64, 32>}, {transform_indices = @transform_5, window_bounds = array<i64: 2000, 32>}]} {
    %get3A = arith.constant 0 : index
    %get3A_0 = arith.constant 0 : index
    %get3A_1 = arith.constant 0 : index
    %get3A_2 = vector.load %arg1[%get3A, %get3A_0, %get3A_1] : memref<2x2000x128xf32, #tpu.memory_space<vmem>>, vector<1x2000x128xf32>
    %get3A_3 = vector.shape_cast %get3A_2 : vector<1x2000x128xf32> to vector<2000x128xf32>
    %slice3A = vector.extract_strided_slice %get3A_3 {offsets = [0, 0], sizes = [2000, 64], strides = [1, 1]} : vector<2000x128xf32> to vector<2000x64xf32>
    %get3A_4 = arith.constant 1 : index
    %get3A_5 = arith.constant 0 : index
    %get3A_6 = arith.constant 0 : index
    %get3A_7 = vector.load %arg1[%get3A_4, %get3A_5, %get3A_6] : memref<2x2000x128xf32, #tpu.memory_space<vmem>>, vector<1x2000x128xf32>
    %get3A_8 = vector.shape_cast %get3A_7 : vector<1x2000x128xf32> to vector<2000x128xf32>
    %slice3A_9 = vector.extract_strided_slice %get3A_8 {offsets = [0, 0], sizes = [2000, 64], strides = [1, 1]} : vector<2000x128xf32> to vector<2000x64xf32>
    %add3A = arith.addf %slice3A, %slice3A_9 : vector<2000x64xf32>
    %get3A_10 = arith.constant 0 : index
    %get3A_11 = arith.constant 0 : index
    %get3A_12 = vector.load %arg2[%get3A_10, %get3A_11] : memref<2000x64xf32, #tpu.memory_space<vmem>>, vector<2000x64xf32>
    %add3A_13 = arith.addf %add3A, %get3A_12 : vector<2000x64xf32>
    %get3A_14 = arith.constant 0 : index
    %get3A_15 = arith.constant 0 : index
    %get3A_16 = vector.load %arg3[%get3A_14, %get3A_15] : memref<2000x1xf32, #tpu.memory_space<vmem>>, vector<2000x1xf32>
    %mul3A = vector.broadcast %get3A_16 : vector<2000x1xf32> to vector<2000x64xf32>
    %mul3A_17 = arith.mulf %add3A_13, %mul3A : vector<2000x64xf32>
    %get3A_18 = arith.constant 0 : index
    %get3A_19 = arith.constant 0 : index
    %get3A_20 = vector.load %arg4[%get3A_18, %get3A_19] : memref<1x64xf32, #tpu.memory_space<vmem>>, vector<1x64xf32>
    %add3A_21 = vector.broadcast %get3A_20 : vector<1x64xf32> to vector<2000x64xf32>
    %add3A_22 = arith.addf %mul3A_17, %add3A_21 : vector<2000x64xf32>
    %max3A = arith.constant 0.000000e+00 : f32
    %max3A_23 = vector.broadcast %max3A : f32 to vector<2000x64xf32>
    %max3A_24 = arith.maximumf %add3A_22, %max3A_23 : vector<2000x64xf32>
    %get3A_25 = arith.constant 0 : index
    %get3A_26 = arith.constant 0 : index
    %get3A_27 = vector.load %arg5[%get3A_25, %get3A_26] : memref<64x32xf32, #tpu.memory_space<vmem>>, vector<64x32xf32>
    %dot_general3A = arith.constant dense<0.000000e+00> : vector<2000x32xf32>
    %dot_general3A_28 = tpu.matmul %max3A_24, %get3A_27, %dot_general3A {dimension_numbers = #tpu.dot_dimension_numbers<[1], [0], [0], [1], [0, 0, 1, 1], [], []>, transpose_lhs_hint = false} : vector<2000x64xf32>, vector<64x32xf32>, vector<2000x32xf32> -> vector<2000x32xf32>
    %mul3A_29 = vector.broadcast %get3A_16 : vector<2000x1xf32> to vector<2000x32xf32>
    %mul3A_30 = arith.mulf %dot_general3A_28, %mul3A_29 : vector<2000x32xf32>
    %swap3A = arith.constant 0 : index
    %swap3A_31 = arith.constant 0 : index
    %swap3A_32 = vector.load %arg6[%swap3A, %swap3A_31] : memref<2000x32xf32, #tpu.memory_space<vmem>>, vector<2000x32xf32>
    tpu.vector_store %arg6[%swap3A, %swap3A_31], %mul3A_30 {strides = array<i32>} : memref<2000x32xf32, #tpu.memory_space<vmem>>, vector<2000x32xf32>,
    return
  }
  func.func @transform_0(%arg0: i32) -> (i32, i32, i32) {
    %c0_i32 = arith.constant 0 : i32
    %c0_i32_0 = arith.constant 0 : i32
    %c0_i32_1 = arith.constant 0 : i32
    return %c0_i32, %arg0, %c0_i32_0 : i32, i32, i32
  }
  func.func @transform_1(%arg0: i32) -> (i32, i32) {
    %c0_i32 = arith.constant 0 : i32
    %c0_i32_0 = arith.constant 0 : i32
    return %arg0, %c0_i32 : i32, i32
  }
  func.func @transform_2(%arg0: i32) -> (i32, i32) {
    %c0_i32 = arith.constant 0 : i32
    %c0_i32_0 = arith.constant 0 : i32
    return %arg0, %c0_i32 : i32, i32
  }
  func.func @transform_3(%arg0: i32) -> (i32, i32) {
    %c0_i32 = arith.constant 0 : i32
    %c0_i32_0 = arith.constant 0 : i32
    %c0_i32_1 = arith.constant 0 : i32
    return %c0_i32, %c0_i32_0 : i32, i32
  }
  func.func @transform_4(%arg0: i32) -> (i32, i32) {
    %c0_i32 = arith.constant 0 : i32
    %c0_i32_0 = arith.constant 0 : i32
    %c0_i32_1 = arith.constant 0 : i32
    return %c0_i32, %c0_i32_0 : i32, i32
  }
  func.func @transform_5(%arg0: i32) -> (i32, i32) {
    %c0_i32 = arith.constant 0 : i32
    %c0_i32_0 = arith.constant 0 : i32
    return %arg0, %c0_i32 : i32, i32
  }
}

module attributes {stable_mosaic.version = 14 : i64} {
  func.func @_tc3_body(%arg0: i32, %arg1: memref<2x2000x128xf32, #tpu.memory_space<vmem>>, %arg2: memref<2000x32xf32, #tpu.memory_space<vmem>>, %arg3: memref<2000x1xf32, #tpu.memory_space<vmem>>, %arg4: memref<1x32xf32, #tpu.memory_space<vmem>>, %arg5: memref<1x1x2000xi32, #tpu.memory_space<vmem>>, %arg6: memref<32x16xf32, #tpu.memory_space<vmem>>, %arg7: memref<1x16xf32, #tpu.memory_space<vmem>>, %arg8: memref<16x1xf32, #tpu.memory_space<vmem>>, %arg9: memref<1x1xf32, #tpu.memory_space<vmem>>, %arg10: memref<64x1xf32, #tpu.memory_space<vmem>>, %arg11: memref<64x32xf32, #tpu.memory_space<vmem>>, %arg12: memref<64x1xf32, #tpu.memory_space<vmem>>) attributes {dimension_semantics = [#tpu.dimension_semantics<arbitrary>], iteration_bounds = array<i64: 5>, scalar_prefetch = 0 : i64, scratch_operands = 2 : i64, tpu.core_type = #tpu.core_type<tc>, window_params = [{transform_indices = @transform_0, window_bounds = array<i64: 2, 2000, 128>}, {transform_indices = @transform_1, window_bounds = array<i64: 2000, 32>}, {transform_indices = @transform_2, window_bounds = array<i64: 2000, 1>}, {pipeline_mode = #tpu.pipeline_mode<synchronous>, transform_indices = @transform_3, window_bounds = array<i64: 1, 32>}, {transform_indices = @transform_4, window_bounds = array<i64: 1, 1, 2000>}, {pipeline_mode = #tpu.pipeline_mode<synchronous>, transform_indices = @transform_5, window_bounds = array<i64: 32, 16>}, {pipeline_mode = #tpu.pipeline_mode<synchronous>, transform_indices = @transform_6, window_bounds = array<i64: 1, 16>}, {pipeline_mode = #tpu.pipeline_mode<synchronous>, transform_indices = @transform_7, window_bounds = array<i64: 16, 1>}, {pipeline_mode = #tpu.pipeline_mode<synchronous>, transform_indices = @transform_8, window_bounds = array<i64: 1, 1>}, {pipeline_mode = #tpu.pipeline_mode<synchronous>, transform_indices = @transform_9, window_bounds = array<i64: 64, 1>}]} {
    %eq3A = arith.constant 0 : i32
    %eq3A_0 = arith.cmpi eq, %arg0, %eq3A : i32
    %convert_element_type3A = arith.extui %eq3A_0 : i1 to i32
    %cond3A = arith.constant 0 : i32
    %cond3A_1 = arith.cmpi ne, %convert_element_type3A, %cond3A : i32
    scf.if %cond3A_1 {
      %broadcast_in_dim3A_56 = arith.constant 0.000000e+00 : f32
      %broadcast_in_dim3A_57 = vector.broadcast %broadcast_in_dim3A_56 : f32 to vector<64x32xf32>
      %swap3A_58 = arith.constant 0 : index
      %swap3A_59 = arith.constant 0 : index
      %swap3A_60 = vector.load %arg11[%swap3A_58, %swap3A_59] : memref<64x32xf32, #tpu.memory_space<vmem>>, vector<64x32xf32>
      tpu.vector_store %arg11[%swap3A_58, %swap3A_59], %broadcast_in_dim3A_57 {strides = array<i32>} : memref<64x32xf32, #tpu.memory_space<vmem>>, vector<64x32xf32>,
      %broadcast_in_dim3A_61 = arith.constant 0.000000e+00 : f32
      %broadcast_in_dim3A_62 = vector.broadcast %broadcast_in_dim3A_61 : f32 to vector<64x1xf32>
      %swap3A_63 = arith.constant 0 : index
      %swap3A_64 = arith.constant 0 : index
      %swap3A_65 = vector.load %arg12[%swap3A_63, %swap3A_64] : memref<64x1xf32, #tpu.memory_space<vmem>>, vector<64x1xf32>
      tpu.vector_store %arg12[%swap3A_63, %swap3A_64], %broadcast_in_dim3A_62 {strides = array<i32>} : memref<64x1xf32, #tpu.memory_space<vmem>>, vector<64x1xf32>,
    } else {
    }
    %get3A = arith.constant 0 : index
    %get3A_2 = arith.constant 0 : index
    %get3A_3 = arith.constant 0 : index
    %get3A_4 = vector.load %arg1[%get3A, %get3A_2, %get3A_3] : memref<2x2000x128xf32, #tpu.memory_space<vmem>>, vector<1x2000x128xf32>
    %get3A_5 = vector.shape_cast %get3A_4 : vector<1x2000x128xf32> to vector<2000x128xf32>
    %slice3A = vector.extract_strided_slice %get3A_5 {offsets = [0, 0], sizes = [2000, 32], strides = [1, 1]} : vector<2000x128xf32> to vector<2000x32xf32>
    %get3A_6 = arith.constant 1 : index
    %get3A_7 = arith.constant 0 : index
    %get3A_8 = arith.constant 0 : index
    %get3A_9 = vector.load %arg1[%get3A_6, %get3A_7, %get3A_8] : memref<2x2000x128xf32, #tpu.memory_space<vmem>>, vector<1x2000x128xf32>
    %get3A_10 = vector.shape_cast %get3A_9 : vector<1x2000x128xf32> to vector<2000x128xf32>
    %slice3A_11 = vector.extract_strided_slice %get3A_10 {offsets = [0, 0], sizes = [2000, 32], strides = [1, 1]} : vector<2000x128xf32> to vector<2000x32xf32>
    %add3A = arith.addf %slice3A, %slice3A_11 : vector<2000x32xf32>
    %get3A_12 = arith.constant 0 : index
    %get3A_13 = arith.constant 0 : index
    %get3A_14 = vector.load %arg2[%get3A_12, %get3A_13] : memref<2000x32xf32, #tpu.memory_space<vmem>>, vector<2000x32xf32>
    %add3A_15 = arith.addf %add3A, %get3A_14 : vector<2000x32xf32>
    %get3A_16 = arith.constant 0 : index
    %get3A_17 = arith.constant 0 : index
    %get3A_18 = vector.load %arg3[%get3A_16, %get3A_17] : memref<2000x1xf32, #tpu.memory_space<vmem>>, vector<2000x1xf32>
    %mul3A = vector.broadcast %get3A_18 : vector<2000x1xf32> to vector<2000x32xf32>
    %mul3A_19 = arith.mulf %add3A_15, %mul3A : vector<2000x32xf32>
    %get3A_20 = arith.constant 0 : index
    %get3A_21 = arith.constant 0 : index
    %get3A_22 = vector.load %arg4[%get3A_20, %get3A_21] : memref<1x32xf32, #tpu.memory_space<vmem>>, vector<1x32xf32>
    %add3A_23 = vector.broadcast %get3A_22 : vector<1x32xf32> to vector<2000x32xf32>
    %add3A_24 = arith.addf %mul3A_19, %add3A_23 : vector<2000x32xf32>
    %max3A = arith.constant 0.000000e+00 : f32
    %max3A_25 = vector.broadcast %max3A : f32 to vector<2000x32xf32>
    %max3A_26 = arith.maximumf %add3A_24, %max3A_25 : vector<2000x32xf32>
    %get3A_27 = arith.constant 0 : index
    %get3A_28 = arith.constant 0 : index
    %get3A_29 = arith.constant 0 : index
    %get3A_30 = vector.load %arg5[%get3A_27, %get3A_28, %get3A_29] : memref<1x1x2000xi32, #tpu.memory_space<vmem>>, vector<1x1x2000xi32>
    %get3A_31 = vector.shape_cast %get3A_30 : vector<1x1x2000xi32> to vector<1x2000xi32>
    %iota3A = tpu.iota {dimensions = array<i32: 0>} : vector<64x2000xi32>
    %eq3A_32 = vector.broadcast %get3A_31 : vector<1x2000xi32> to vector<64x2000xi32>
    %eq3A_33 = arith.cmpi eq, %iota3A, %eq3A_32 : vector<64x2000xi32>
    %convert_element_type3A_34 = arith.extui %eq3A_33 : vector<64x2000xi1> to vector<64x2000xi32>
    %convert_element_type3A_35 = arith.sitofp %convert_element_type3A_34 : vector<64x2000xi32> to vector<64x2000xf32>
    %get3A_36 = arith.constant 0 : index
    %get3A_37 = arith.constant 0 : index
    %get3A_38 = vector.load %arg11[%get3A_36, %get3A_37] : memref<64x32xf32, #tpu.memory_space<vmem>>, vector<64x32xf32>
    %dot_general3A = arith.constant dense<0.000000e+00> : vector<64x32xf32>
    %dot_general3A_39 = tpu.matmul %convert_element_type3A_35, %max3A_26, %dot_general3A {dimension_numbers = #tpu.dot_dimension_numbers<[1], [0], [0], [1], [0, 0, 1, 1], [], []>, transpose_lhs_hint = false} : vector<64x2000xf32>, vector<2000x32xf32>, vector<64x32xf32> -> vector<64x32xf32>
    %add3A_40 = arith.addf %get3A_38, %dot_general3A_39 : vector<64x32xf32>
    %swap3A = arith.constant 0 : index
    %swap3A_41 = arith.constant 0 : index
    %swap3A_42 = vector.load %arg11[%swap3A, %swap3A_41] : memref<64x32xf32, #tpu.memory_space<vmem>>, vector<64x32xf32>
    tpu.vector_store %arg11[%swap3A, %swap3A_41], %add3A_40 {strides = array<i32>} : memref<64x32xf32, #tpu.memory_space<vmem>>, vector<64x32xf32>,
    %get3A_43 = arith.constant 0 : index
    %get3A_44 = arith.constant 0 : index
    %get3A_45 = vector.load %arg12[%get3A_43, %get3A_44] : memref<64x1xf32, #tpu.memory_space<vmem>>, vector<64x1xf32>
    %reduce_sum3A = arith.constant dense<0.000000e+00> : vector<64xf32>
    %reduce_sum3A_46 = vector.multi_reduction <add>, %convert_element_type3A_35, %reduce_sum3A [1] : vector<64x2000xf32> to vector<64xf32>
    %broadcast_in_dim3A = vector.shape_cast %reduce_sum3A_46 : vector<64xf32> to vector<64x1xf32>
    %add3A_47 = arith.addf %get3A_45, %broadcast_in_dim3A : vector<64x1xf32>
    %swap3A_48 = arith.constant 0 : index
    %swap3A_49 = arith.constant 0 : index
    %swap3A_50 = vector.load %arg12[%swap3A_48, %swap3A_49] : memref<64x1xf32, #tpu.memory_space<vmem>>, vector<64x1xf32>
    tpu.vector_store %arg12[%swap3A_48, %swap3A_49], %add3A_47 {strides = array<i32>} : memref<64x1xf32, #tpu.memory_space<vmem>>, vector<64x1xf32>,
    %eq3A_51 = arith.constant 4 : i32
    %eq3A_52 = arith.cmpi eq, %arg0, %eq3A_51 : i32
    %convert_element_type3A_53 = arith.extui %eq3A_52 : i1 to i32
    %cond3A_54 = arith.constant 0 : i32
    %cond3A_55 = arith.cmpi ne, %convert_element_type3A_53, %cond3A_54 : i32
    scf.if %cond3A_55 {
      %get3A_56 = arith.constant 0 : index
      %get3A_57 = arith.constant 0 : index
      %get3A_58 = vector.load %arg11[%get3A_56, %get3A_57] : memref<64x32xf32, #tpu.memory_space<vmem>>, vector<64x32xf32>
      %get3A_59 = arith.constant 0 : index
      %get3A_60 = arith.constant 0 : index
      %get3A_61 = vector.load %arg12[%get3A_59, %get3A_60] : memref<64x1xf32, #tpu.memory_space<vmem>>, vector<64x1xf32>
      %max3A_62 = arith.constant 1.000000e+00 : f32
      %max3A_63 = vector.broadcast %max3A_62 : f32 to vector<64x1xf32>
      %max3A_64 = arith.maximumf %get3A_61, %max3A_63 : vector<64x1xf32>
      %div3A = vector.broadcast %max3A_64 : vector<64x1xf32> to vector<64x32xf32>
      %div3A_65 = arith.divf %get3A_58, %div3A : vector<64x32xf32>
      %get3A_66 = arith.constant 0 : index
      %get3A_67 = arith.constant 0 : index
      %get3A_68 = vector.load %arg6[%get3A_66, %get3A_67] : memref<32x16xf32, #tpu.memory_space<vmem>>, vector<32x16xf32>
      %dot_general3A_69 = arith.constant dense<0.000000e+00> : vector<64x16xf32>
      %dot_general3A_70 = tpu.matmul %div3A_65, %get3A_68, %dot_general3A_69 {dimension_numbers = #tpu.dot_dimension_numbers<[1], [0], [0], [1], [0, 0, 1, 1], [], []>, transpose_lhs_hint = false} : vector<64x32xf32>, vector<32x16xf32>, vector<64x16xf32> -> vector<64x16xf32>
      %get3A_71 = arith.constant 0 : index
      %get3A_72 = arith.constant 0 : index
      %get3A_73 = vector.load %arg7[%get3A_71, %get3A_72] : memref<1x16xf32, #tpu.memory_space<vmem>>, vector<1x16xf32>
      %add3A_74 = vector.broadcast %get3A_73 : vector<1x16xf32> to vector<64x16xf32>
      %add3A_75 = arith.addf %dot_general3A_70, %add3A_74 : vector<64x16xf32>
      %max3A_76 = arith.constant 0.000000e+00 : f32
      %max3A_77 = vector.broadcast %max3A_76 : f32 to vector<64x16xf32>
      %max3A_78 = arith.maximumf %add3A_75, %max3A_77 : vector<64x16xf32>
      %get3A_79 = arith.constant 0 : index
      %get3A_80 = arith.constant 0 : index
      %get3A_81 = vector.load %arg8[%get3A_79, %get3A_80] : memref<16x1xf32, #tpu.memory_space<vmem>>, vector<16x1xf32>
      %dot_general3A_82 = arith.constant dense<0.000000e+00> : vector<64x1xf32>
      %dot_general3A_83 = tpu.matmul %max3A_78, %get3A_81, %dot_general3A_82 {dimension_numbers = #tpu.dot_dimension_numbers<[1], [0], [0], [1], [0, 0, 1, 1], [], []>, transpose_lhs_hint = false} : vector<64x16xf32>, vector<16x1xf32>, vector<64x1xf32> -> vector<64x1xf32>
      %get3A_84 = arith.constant 0 : index
      %get3A_85 = arith.constant 0 : index
      %get3A_86 = vector.load %arg9[%get3A_84, %get3A_85] : memref<1x1xf32, #tpu.memory_space<vmem>>, vector<1x1xf32>
      %add3A_87 = vector.broadcast %get3A_86 : vector<1x1xf32> to vector<64x1xf32>
      %add3A_88 = arith.addf %dot_general3A_83, %add3A_87 : vector<64x1xf32>
      %logistic3A = arith.negf %add3A_88 : vector<64x1xf32>
      %logistic3A_89 = math.exp %logistic3A : vector<64x1xf32>
      %logistic3A_90 = arith.constant 1.000000e+00 : f32
      %logistic3A_91 = vector.broadcast %logistic3A_90 : f32 to vector<64x1xf32>
      %logistic3A_92 = arith.addf %logistic3A_91, %logistic3A_89 : vector<64x1xf32>
      %logistic3A_93 = arith.divf %logistic3A_91, %logistic3A_92 : vector<64x1xf32>
      %swap3A_94 = arith.constant 0 : index
      %swap3A_95 = arith.constant 0 : index
      %swap3A_96 = vector.load %arg10[%swap3A_94, %swap3A_95] : memref<64x1xf32, #tpu.memory_space<vmem>>, vector<64x1xf32>
      tpu.vector_store %arg10[%swap3A_94, %swap3A_95], %logistic3A_93 {strides = array<i32>} : memref<64x1xf32, #tpu.memory_space<vmem>>, vector<64x1xf32>,
    } else {
    }
    return
  }
  func.func @transform_0(%arg0: i32) -> (i32, i32, i32) {
    %c0_i32 = arith.constant 0 : i32
    %c0_i32_0 = arith.constant 0 : i32
    %c0_i32_1 = arith.constant 0 : i32
    return %c0_i32, %arg0, %c0_i32_0 : i32, i32, i32
  }
  func.func @transform_1(%arg0: i32) -> (i32, i32) {
    %c0_i32 = arith.constant 0 : i32
    %c0_i32_0 = arith.constant 0 : i32
    return %arg0, %c0_i32 : i32, i32
  }
  func.func @transform_2(%arg0: i32) -> (i32, i32) {
    %c0_i32 = arith.constant 0 : i32
    %c0_i32_0 = arith.constant 0 : i32
    return %arg0, %c0_i32 : i32, i32
  }
  func.func @transform_3(%arg0: i32) -> (i32, i32) {
    %c0_i32 = arith.constant 0 : i32
    %c0_i32_0 = arith.constant 0 : i32
    %c0_i32_1 = arith.constant 0 : i32
    return %c0_i32, %c0_i32_0 : i32, i32
  }
  func.func @transform_4(%arg0: i32) -> (i32, i32, i32) {
    %c0_i32 = arith.constant 0 : i32
    %c0_i32_0 = arith.constant 0 : i32
    %c0_i32_1 = arith.constant 0 : i32
    return %arg0, %c0_i32, %c0_i32_0 : i32, i32, i32
  }
  func.func @transform_5(%arg0: i32) -> (i32, i32) {
    %c0_i32 = arith.constant 0 : i32
    %c0_i32_0 = arith.constant 0 : i32
    %c0_i32_1 = arith.constant 0 : i32
    return %c0_i32, %c0_i32_0 : i32, i32
  }
  func.func @transform_6(%arg0: i32) -> (i32, i32) {
    %c0_i32 = arith.constant 0 : i32
    %c0_i32_0 = arith.constant 0 : i32
    %c0_i32_1 = arith.constant 0 : i32
    return %c0_i32, %c0_i32_0 : i32, i32
  }
  func.func @transform_7(%arg0: i32) -> (i32, i32) {
    %c0_i32 = arith.constant 0 : i32
    %c0_i32_0 = arith.constant 0 : i32
    %c0_i32_1 = arith.constant 0 : i32
    return %c0_i32, %c0_i32_0 : i32, i32
  }
  func.func @transform_8(%arg0: i32) -> (i32, i32) {
    %c0_i32 = arith.constant 0 : i32
    %c0_i32_0 = arith.constant 0 : i32
    %c0_i32_1 = arith.constant 0 : i32
    return %c0_i32, %c0_i32_0 : i32, i32
  }
  func.func @transform_9(%arg0: i32) -> (i32, i32) {
    %c0_i32 = arith.constant 0 : i32
    %c0_i32_0 = arith.constant 0 : i32
    %c0_i32_1 = arith.constant 0 : i32
    return %c0_i32, %c0_i32_0 : i32, i32
  }
}

</mosaic_0001>

<sc_bundles>
// kernel: kernel.11.cloned.1.call-start
scs
__scs_entry_jumppad:
0x0: {  	(pc) =	sbr.rel $0x88, $3  }
0x1: {  	(tag) =	ssettag $0x0;
	lr =	simm.s32 $0x1  }
0x2: {  	[smem:$0x3F96] =	sst lr;
	_ =	strace $0xD0000000  }
0x3: {  	_ = 	snop  }
0x4: {  	_ = 	snop  }
0x5: {  	_ = 	snop  }
0x6: {  	_ = 	snop  }
0x7: {  	_ = 	snop  }
__scs_overlays_trampoline_lowered:
0x8: {  	[smem:$0x3FA5] =	sst s0  }
0x9: {  	[smem:$0x3FA6] =	sst s1  }
0xa: {  	[smem:$0x3FA7] =	sst s2  }
0xb: {  	[smem:$0x3FA8] =	sst s3  }
0xc: {  	[smem:$0x3FA9] =	sst s4  }
0xd: {  	[smem:$0x3FAA] =	sst s5  }
0xe: {  	[smem:$0x3FAB] =	sst s6  }
0xf: {  	[smem:$0x3FAC] =	sst s7  }
0x10: {  	[smem:$0x3FAD] =	sst s8  }
0x11: {  	[smem:$0x3FAE] =	sst s9;
	s0 =	simm.s32 @!p0 $0x0  }
0x12: {  	s1 =	sld [smem:$0x3F94];
	s0 =	simm.s32 @p0 $0x1  }
0x13: {  	[smem:$0x3FAF] =	sst s0;
	s0 =	simm.s32 @!p1 $0x0  }
0x14: {  	s2 =	sld [smem:$0x3F93];
	s0 =	simm.s32 @p1 $0x1  }
0x15: {  	[smem:$0x3FB0] =	sst s0;
	s0 =	simm.s32 @!p2 $0x0  }
0x16: {  	s3 =	sld [smem:$0x3FDB];
	s0 =	simm.s32 @p2 $0x1  }
0x17: {  	s4 =	simm.s32 $0x1BF5;
	[smem:$0x3FB2] =	sst s0  }
0x18: {  	s0 =	sld [smem:$0x3F95];
	_ =	swait.ge [sflag:s4], $0x0  }
0x19: {  	s7 =	sld [smem:$0x3F96]  }
0x1a: {  	s8 =	sadd.s32 $0xFFFFE003, lr  }
0x1b: {  	s9 =	sadd.s32 $0xFFFFFEF7, lr;
	s5 =	simm.s32 $0xFFFFFFFF;
	p2 =	slt.u32 s8, $0xFFFFF086  }
0x1c: {  	p1 =	slt.u32 s9, $0xF7A;
	s5 =	simm.s32 @!p2 $0x0  }
0x1d: {  	s5 =	simm.s32 @p1 $0x1;
	p0 =	seq.s32 s7, s2  }
0x1e: {  	s7 =	smul.u32 @!p0 $0xF7A, s2;
	p2 =	seq.s32 @!p0 s5, $0x0  }
0x1f: {  	s9 =	smul.u32 $0xF7A, s1;
	s8 =	simm.s32 @!p0 $0x1BF5;
	p2 =	por !p2, p0  }
0x20: {  	[sflag:s8] =	ssyncset.s32 @!p0 $0xFFFFF086;
	s6 =	sadd.s32 @!p0 s3, s7;
	s7 =	simm.s32 @!p0 $0x108  }
0x21: {  	s3 =	sadd.s32 s3, s9;
	s6 =	sadd.s32 @!p0 $0x88, s6;
	s7 =	simm.s32 @p2 $0x1082  }
0x22: {  	[simem:s7], [sflag:s8] =	dma.local @!p0 [hbm:s6], $0xF7A  }
0x23: {  	s9 =	sor.u32 $0xD0000000, s2;
	s6 =	simm.s32 $0x108;
	_ =	swait.ge @!p0 [sflag:s8], $0x0  }
0x24: {  	s3 =	sadd.s32 $0x88, s3;
	s6 =	simm.s32 @!p1 $0x1082;
	[sflag:s4] =	ssyncset.s32 $0xFFFFF086  }
0x25: {  	[simem:s6], [sflag:s4] =	dma.local [hbm:s3], $0xF7A  }
0x26: {  	[smem:$0x3F96] =	sst s1;
	(tag) =	ssettag s2;
	_ =	strace s9  }
0x27: {  	s1 =	sld [smem:$0x3FA6]  }
0x28: {  	s2 =	sld [smem:$0x3FA7]  }
0x29: {  	s4 =	sld [smem:$0x3FA9]  }
0x2a: {  	p0 =	seq.s32 s5, $0x0;
	s5 =	sld [smem:$0x3FAA]  }
0x2b: {  	s6 =	sld [smem:$0x3FAB]  }
0x2c: {  	s7 =	sld [smem:$0x3FAC]  }
0x2d: {  	s3 =	simm.s32 $0x108;
	s8 =	sld [smem:$0x3FAD]  }
0x2e: {  	s3 =	simm.s32 @!p0 $0x1082;
	s9 =	sld [smem:$0x3FAE]  }
0x2f: {  	lr =	sadd.s32 s0, s3;
	s0 =	sld [smem:$0x3FA5]  }
0x30: {  	s3 =	sld [smem:$0x3FA8]  }
0x31: {  	[smem:$0x3FB1] =	sst s10  }
0x32: {  	s10 =	sld [smem:$0x3FAF];
	_ =	sdelay $0x3  }
0x33: {  	p0 =	seq.s32 s10, $0x1;
	s10 =	sld [smem:$0x3FB1];
	_ =	sdelay $0x3  }
0x34: {  	[smem:$0x3FB1] =	sst s10  }
0x35: {  	s10 =	sld [smem:$0x3FB0];
	_ =	sdelay $0x3  }
0x36: {  	p1 =	seq.s32 s10, $0x1;
	s10 =	sld [smem:$0x3FB1];
	_ =	sdelay $0x3  }
0x37: {  	[smem:$0x3FB1] =	sst s10  }
0x38: {  	s10 =	sld [smem:$0x3FB2]  }
0x39: {  	_ = 	snop;
	(pc) =	sbr.ind lr, $3  }
0x3a: {  	_ = 	snop  }
0x3b: {  	_ = 	snop  }
0x3c: {  	p2 =	seq.s32 s10, $0x1;
	s10 =	sld [smem:$0x3FB1]  }
0x3d: {  	_ =	shalt  }
0x3e: {  	_ =	shalt  }
0x3f: {  	_ =	shalt  }
0x40: {  	_ =	shalt  }
0x41: {  	_ =	shalt  }
0x42: {  	_ =	shalt  }
0x43: {  	_ =	shalt  }
0x44: {  	_ =	shalt  }
0x45: {  	_ =	shalt  }
0x46: {  	_ =	shalt  }
0x47: {  	_ =	shalt  }
0x48: {  	_ =	shalt  }
0x49: {  	_ =	shalt  }
0x4a: {  	_ =	shalt  }
0x4b: {  	_ =	shalt  }
0x4c: {  	_ =	shalt  }
0x4d: {  	_ =	shalt  }
0x4e: {  	_ =	shalt  }
0x4f: {  	_ =	shalt  }
0x50: {  	_ =	shalt  }
0x51: {  	_ =	shalt  }
0x52: {  	_ =	shalt  }
0x53: {  	_ =	shalt  }
0x54: {  	_ =	shalt  }
0x55: {  	_ =	shalt  }
0x56: {  	_ =	shalt  }
0x57: {  	_ =	shalt  }
0x58: {  	_ =	shalt  }
0x59: {  	_ =	shalt  }
0x5a: {  	_ =	shalt  }
0x5b: {  	_ =	shalt  }
0x5c: {  	_ =	shalt  }
0x5d: {  	_ =	shalt  }
0x5e: {  	_ =	shalt  }
0x5f: {  	_ =	shalt  }
0x60: {  	_ =	shalt  }
0x61: {  	_ =	shalt  }
0x62: {  	_ =	shalt  }
0x63: {  	_ =	shalt  }
0x64: {  	_ =	shalt  }
0x65: {  	_ =	shalt  }
0x66: {  	_ =	shalt  }
0x67: {  	_ =	shalt  }
0x68: {  	_ =	shalt  }
0x69: {  	_ =	shalt  }
0x6a: {  	_ =	shalt  }
0x6b: {  	_ =	shalt  }
0x6c: {  	_ =	shalt  }
0x6d: {  	_ =	shalt  }
0x6e: {  	_ =	shalt  }
0x6f: {  	_ =	shalt  }
0x70: {  	_ =	shalt  }
0x71: {  	_ =	shalt  }
0x72: {  	_ =	shalt  }
0x73: {  	_ =	shalt  }
0x74: {  	_ =	shalt  }
0x75: {  	_ =	shalt  }
0x76: {  	_ =	shalt  }
0x77: {  	_ =	shalt  }
0x78: {  	_ =	shalt  }
0x79: {  	_ =	shalt  }
0x7a: {  	_ =	shalt  }
0x7b: {  	_ =	shalt  }
0x7c: {  	_ =	shalt  }
0x7d: {  	_ =	shalt  }
0x7e: {  	_ =	shalt  }
0x7f: {  	_ =	shalt  }
0x80: {  	_ =	shalt  }
0x81: {  	_ =	shalt  }
0x82: {  	_ =	shalt  }
0x83: {  	_ =	shalt  }
0x84: {  	_ =	shalt  }
0x85: {  	_ =	shalt  }
0x86: {  	_ =	shalt  }
0x87: {  	_ =	shalt  }
.Lfunc_end0:
.L_simem_size_0:
called_computation.1_lowered:
.L_overlay_start_0:
0x88: {  	s2 =	sld [smem:$0x3FD9]  }
0x89: {  	s3 =	sld [smem:$0x3FFE];
	_ =	sdelay $0x1  }
0x8a: {  	s1 =	srdreg.scid  }
0x8b: {  	s0 =	sand.u32 $0x1, s1  }
0x8c: {  	s16 =	sshll.u32 s0, $0xA;
	s2 =	sadd.s32 s3, s2  }
0x8d: {  	s2 =	sadd.s32 s2, s16  }
0x8e: {  	[smem:$0x3FBD] =	sst s2  }
0x8f: {  	_ = 	snop  }
0x90: {  	(tm) =	ssettm $0x1  }
0x91: {  	s17 =	sld [smem:$0x3FFB];
	_ =	sdelay $0x3  }
0x92: {  	_ =	strace s17  }
0x93: {  	s2 =	sld [smem:$0x3FFC];
	_ =	sdelay $0x3  }
0x94: {  	_ =	strace s2  }
0x95: {  	s2 =	sld [smem:$0x3FFD];
	_ =	sdelay $0x3  }
0x96: {  	_ =	strace s2  }
0x97: {  	_ =	strace $0x8FFFFFFF  }
0x98: {  	s18 =	sld [smem:$0x3FDB];
	_ =	sdelay $0x1  }
0x99: {  	s19 =	simm.s32 $_scs_section_size  }
0x9a: {  	s4 =	simm.s32 $_size__tile_overlayer_lowered;
	s5 =	simm.s32 $_tile_overlayer_lowered  }
0x9b: {  	s22 =	simm.s32 $0x1BFF;
	s21 =	sshll.u32 s5, $0x1;
	s2 =	sadd.s32 s19, s18  }
0x9c: {  	s6 =	simm.s32 $0x0;
	s20 =	sshll.u32 s4, $0x1;
	s4 =	sadd.s32 s21, s2  }
0x9d: {  	[timem:s6], [sflag:s22] =	dma.local [hbm:s4], s20  }
0x9e: {  	_ =	swait.ge [sflag:s22], s20  }
0x9f: {  	s3 =	ssub.s32 $0x0, s20;
	[sflag:s22] =	ssyncset.done $0x0  }
0xa0: {  	[sflag:s22] =	ssyncadd.s32 s3;
	_ =	sdelay $0x1  }
0xa1: {  	s23 =	simm.s32 $0x1B8B  }
0xa2: {  	_ =	swait.ge [sflag:s23], $0x1  }
0xa3: {  	[sflag:s23] =	ssyncset.done $0x0  }
0xa4: {  	s25 =	simm.s32 $0x1B8E;
	s24 =	sld [smem:$0x3FFE];
	[sflag:s23] =	ssyncadd.s32 $0xFFFFFFFF  }
0xa5: {  	s26 =	simm.s32 $execute0_lowered;
	[smem:$0x3FD2] =	sst s25  }
0xa6: {  	s4 =	sshll.u32 s26, $0x1;
	_ =	strace $0x80000049;
	[dreg:$0x1] =	wrdreg $0xFFFFFFFF  }
0xa7: {  	s28 =	simm.s32 $_size_execute0_lowered;
	s2 =	sadd.s32 s2, s4;
	[dreg:$0x0] =	wrdreg $0x0  }
0xa8: {  	s4 =	sshll.u32 s28, $0x1;
	[dreg:$0x2] =	wrdreg s2  }
0xa9: {  	[dreg:$0x3] =	wrdreg s4  }
0xaa: {  	[dreg:$0x4] =	wrdreg $0xC0  }
0xab: {  	_ =	task [dreg:s6], $0x5FFFF  }
0xac: {  	[dreg:$0x1] =	wrdreg $0xFFFFFFFF  }
0xad: {  	[dreg:$0x0] =	wrdreg $0x60  }
0xae: {  	[dreg:$0x2] =	wrdreg s24  }
0xaf: {  	[dreg:$0x3] =	wrdreg $0x116200  }
0xb0: {  	[dreg:$0x4] =	wrdreg $0x9  }
0xb1: {  	_ =	task.clear_ibuf [dreg:s6], $0x5FFFF;
	_ =	strace $0x90000049  }
0xb2: {  	s29 =	simm.s32 $0x9;
	_ =	strace $0x8000004B  }
0xb3: {  	_ =	swait.ge [sflag:s29], $0x1  }
0xb4: {  	[sflag:s29] =	ssyncadd.s32 $0xFFFFFFFF  }
0xb5: {  	_ =	strace $0x9000004B  }
0xb6: {  	_ =	sfence  }
0xb7: {  	s30 =	sld [smem:$0x0];
	_ =	sdelay $0x2  }
0xb8: {  	s31 =	sshll.u32 s1, $0xD;
	s1 =	sshrl.u32 s1, $0x2  }
0xb9: {  	s3 =	sand.u32 $0x4000, s31;
	s1 =	sadd.s32 s1, s30  }
0xba: {  	s0 =	sor.u32 s3, s0;
	s1 =	sshll.u32 s1, $0x11  }
0xbb: {  	s0 =	sor.u32 s1, s0  }
0xbc: {  	s0 =	sadd.s32 $0x8F2B, s0  }
0xbd: {  	[sflag:s0] =	ssyncadd.remote.s32 $0x1  }
0xbe: {  	_ =	sfence.sel $0xFFFF  }
0xbf: {  	[dreg:$0x0] =	wrdreg $0xFFFFFFFF;
	(pc) =	sbr.abs _section_cstart, $3  }
0xc0: {  	[dreg:$0x1] =	wrdreg $0xFFFFFFFF  }
0xc1: {  	_ =	task.clear_ibuf [dreg:s6], $0x2FFFF;
	_ =	strace $0x9FFFFFFF  }
0xc2: {  	(tm) =	ssettm $0x7FFFFFFF  }
0xc3: {  	_ =	shalt  }
tec
execute0_lowered:
.L_overlay_start_1:
0x0: {  	(tag) =	ssettag $0x1  }
0x1: {  	s0 =	rddreg [dreg:$0x0]  }
0x2: {  	s2 =	rddreg [dreg:$0x1];
	s13 =	stileid.u32  }
0x3: {  	s1 =	srdreg.scid;
	s3 =	simm.s32 $0x0;
	s14 =	simm.s32 $0xC8  }
0x4: {  	s15 =	simm.s32 $0x4E20;
	s19 =	simm.s32 $0x2;
	s20 =	simm.s32 $0x2710  }
0x5: {  	s23 =	simm.s32 $0x8;
	s24 =	simm.s32 $0x9;
	s25 =	simm.s32 $0x6  }
0x6: {  	s28 =	simm.s32 $0x10;
	s29 =	simm.s32 $0x0;
	s5 =	smul.u32 $0x9E00, s13  }
0x7: {  	s1 =	sand.u32 $0x1, s1;
	[smem:$0x7FF] =	sst s3;
	s7 =	smul.u32 $0x13C00, s13  }
0x8: {  	s9 =	sadd.s32 $0x2800, s0;
	s4 =	sadd.s32 $0x16200, s0;
	s11 =	smul.u32 $0x2710, s13  }
0x9: {  	s31 =	sshll.u32 s13, $0x6;
	s13 =	simm.s32 $0x1;
	s6 =	smul.u32 $0x13C000, s1  }
0xa: {  	_ =	strace $0x8000004A;
	s26 =	ssub.s32 $0x2, s1;
	s1 =	smul.u32 $0x27100, s1  }
0xb: {  	s8 =	sshrl.u32 s5, $0x3;
	s10 =	sshrl.u32 s26, $0x1;
	s12 =	sadd.s32 s5, s2  }
0xc: {  	s6 =	sadd.s32 s7, s6;
	s8 =	sadd.s32 s8, s0;
	s7 =	ssub.s32 s26, s10  }
0xd: {  	s1 =	sadd.s32 s11, s1;
	s10 =	sor.u32 $0x1C0A, s31;
	s11 =	sshrl.u32 s12, $0x3  }
0xe: {  	s12 =	simm.s32 $0xA;
	s26 =	simm.s32 $0x7;
	s6 =	sshrl.u32 s6, $0x3  }
0xf: {  	s5 =	sadd.s32 $0x29C00, s8;
	s30 =	sadd.s32 $0x4E200, s1;
	s0 =	sadd.s32 s6, s0  }
0x10: {  	s1 =	sshrl.u32 s1, $0x3;
	s6 =	sadd.s32 $0x3D800, s0;
	s0 =	sshrl.u32 s30, $0x3  }
0x11: {  	s7 =	smax.u32 s7, $0x1;
	s8 =	sadd.s32 s1, s9;
	s9 =	sadd.s32 s0, s9  }
.LBB2_1:
0x12: {  	s0 =	sadd.s32 $0x0, s8;
	s31 =	sadd.s32 $0x0, s9  }
0x13: {  	[tilespmem:s3], [sflag:$0x1] =	stream.linear.gather [hbm4b:s0+s3], $0xC8, $0x38;
	[tilespmem:$0x1B420] =	vst v63  }
0x14: {  	s1 =	simm.s32 $0xC8;
	s16 =	simm.s32 $0x2710;
	s0 =	simm.s32 $0x19  }
0x15: {  	[tilespmem:s20], [sflag:$0x1] =	stream.linear.gather [hbm4b:s31+s3], $0xC8, $0x38;
	[tilespmem:$0x1B420] =	vst v63  }
.LBB2_2:
0x16: {  	s17 =	sadd.s32 s0, s8  }
0x17: {  	p0 =	sne.s32 s0, $0x4C9;
	s18 =	smov.u32 s0;
	s0 =	sadd.s32 $0x19, s0  }
0x18: {  	[tilespmem:s1], [sflag:$0x1] =	stream.linear.gather [hbm4b:s17+s3], $0xC8, $0x38;
	[tilespmem:$0x1B420] =	vst v63  }
.Ltmp0:
0x19: {  	_ = 	snop;
	(pc) =	sbr.rel @p0 .LBB2_2-.Ltmp0, $4  }
0x1a: {  	s16 =	sadd.s32 $0xC8, s16;
	s17 =	sadd.s32 s18, s9  }
0x1b: {  	[tilespmem:s16], [sflag:$0x1] =	stream.linear.gather [hbm4b:s17+s3], $0xC8, $0x38;
	[tilespmem:$0x1B420] =	vst v63  }
0x1c: {  	_ = 	snop  }
0x1d: {  	s1 =	sadd.s32 $0xC8, s1  }
0x1e: {  	[spmem:s11], [sflag:s10] =	dma.local [hbm:s5], $0x13C0  }
0x1f: {  	_ =	swait.ge [sflag:s12], $0x13C0  }
0x20: {  	[sflag:s12] =	ssyncset.done $0x0  }
0x21: {  	[sflag:s12] =	ssyncadd.s32 $0xFFFFEC40  }
0x22: {  	_ =	swait.ge [sflag:s13], $0xC8  }
0x23: {  	[sflag:s13] =	ssyncset.done $0x0  }
0x24: {  	[sflag:s13] =	ssyncadd.s32 $0xFFFFFF38  }
0x25: {  	_ =	swait.ge [sflag:s13], $0xC8  }
0x26: {  	s0 =	simm.s32 $0x31;
	[sflag:s13] =	ssyncset.done $0x0  }
.LBB2_4:
0x27: {  	p0 =	sne.s32 s0, $0x1;
	s0 =	sadd.s32 $0xFFFFFFFF, s0;
	[sflag:s13] =	ssyncadd.s32 $0xFFFFFF38  }
.Ltmp1:
0x28: {  	_ =	swait.ge [sflag:s13], $0xC8;
	(pc) =	sbr.rel @p0 .LBB2_4-.Ltmp1, $4  }
0x29: {  	[sflag:s13] =	ssyncset.done $0x0  }
0x2a: {  	[sflag:s13] =	ssyncadd.s32 $0xFFFFFF38  }
0x2b: {  	_ =	swait.ge [sflag:s13], $0xC8  }
0x2c: {  	[sflag:s13] =	ssyncset.done $0x0  }
0x2d: {  	[sflag:s13] =	ssyncadd.s32 $0xFFFFFF38  }
0x2e: {  	s0 =	simm.s32 $0x8020;
	[bflag:$0x0] =	sbarrier.arrive $0xFFFF  }
0x2f: {  	[tilespmem:s15], [sflag:$0x2] =	stream.indirect.gather [hbm4b:s4+s14], $0x40, s3, s14, $0xb8;
	[tilespmem:$0x1B420] =	vst v63  }
0x30: {  	s17 =	simm.s32 $0x190;
	s1 =	simm.s32 $0xB220;
	s18 =	simm.s32 $0x258  }
0x31: {  	[tilespmem:s0], [sflag:$0x3] =	stream.indirect.gather [hbm4b:s4+s14], $0x40, s14, s14, $0xb8;
	[tilespmem:$0x1B420] =	vst v63  }
0x32: {  	s21 =	simm.s32 $0xE420;
	s22 =	simm.s32 $0x1;
	s30 =	simm.s32 $0x320  }
0x33: {  	[tilespmem:s1], [sflag:$0x4] =	stream.indirect.gather [hbm4b:s4+s14], $0x40, s17, s14, $0xb8;
	[tilespmem:$0x1B420] =	vst v63  }
0x34: {  	p0 =	por $0x0, $0x0;
	s0 =	sand.u32 $0x3, s22;
	_ =	swait.ge [sflag:s19], $0x3200  }
0x35: {  	s31 =	simm.s32 $0x5;
	s16 =	smul.u32 $0xC800, s0;
	[sflag:s19] =	ssyncset.done $0x0  }
0x36: {  	s1 =	simm.s32 $0x4;
	s17 =	sadd.s32 $0x2, s0;
	[sflag:s19] =	ssyncadd.s32 $0xFFFFCE00  }
0x37: {  	[spmem:s2] =	stream.indirect.scatter.add.f32 [tilespmem:s15], [sflag:$0x6], $0x40, s20, s14, $0xb8;
	[tilespmem:$0x1B420] =	vst v63  }
0x38: {  	s0 =	sadd.s32 $0x6, s0;
	s16 =	sshrl.u32 s16, $0x2;
	s1 =	sand.u32 @!p0 $0x3, s1  }
0x39: {  	[tilespmem:s21], [sflag:$0x5] =	stream.indirect.gather [hbm4b:s4+s14], $0x40, s18, s14, $0xb8;
	[tilespmem:$0x1B420] =	vst v63  }
0x3a: {  	s22 =	smul.u32 @!p0 $0xC800, s1;
	s18 =	simm.s32 $0x27D8;
	_ =	swait.ge [sflag:s17], $0x3200  }
0x3b: {  	s21 =	sadd.s32 $0x4E20, s16;
	s16 =	sadd.s32 @!p0 $0x6, s1;
	[sflag:s17] =	ssyncset.done $0x0  }
0x3c: {  	[sflag:s17] =	ssyncadd.s32 $0xFFFFCE00;
	s17 =	sadd.s32 @!p0 $0x2, s1;
	s1 =	sshrl.u32 @!p0 s22, $0x2  }
0x3d: {  	[spmem:s2] =	stream.indirect.scatter.add.f32 [tilespmem:s21], [sflag:s0], $0x40, s18, s14, $0xb8;
	[tilespmem:$0x1B420] =	vst v63  }
0x3e: {  	s0 =	simm.s32 $0x28A0;
	s18 =	sadd.s32 @!p0 $0x4E20, s1;
	_ =	swait.ge @!p0 [sflag:s16], $0x3200  }
0x3f: {  	s21 =	simm.s32 @!p0 $0xC8;
	s1 =	simm.s32 $0x320;
	[sflag:s16] =	ssyncset.done @!p0 $0x0  }
.LBB2_6:
0x40: {  	[sflag:s16] =	ssyncadd.s32 @!p0 $0xFFFFCE00  }
0x41: {  	s30 =	sadd.s32 $0xC8, s30;
	s16 =	smov.u32 s31;
	s31 =	sadd.s32 $0x1, s31  }
0x42: {  	[tilespmem:s18], [sflag:s17] =	stream.indirect.gather @!p0 [hbm4b:s4+s21], $0x40, s1, s21, $0xb8;
	[tilespmem:$0x1B420] =	vst v63  }
0x43: {  	s17 =	sadd.s32 $0xFFFFFFFD, s16;
	p1 =	sne.s32 s31, $0x35;
	s1 =	smov.u32 s30  }
0x44: {  	s18 =	sand.u32 $0x3, s17  }
0x45: {  	s21 =	smul.u32 $0xC800, s18;
	s22 =	sadd.s32 $0x2, s18  }
0x46: {  	p0 =	sgt.u32 s17, $0x2E;
	s18 =	sadd.s32 $0x6, s18;
	_ =	swait.ge [sflag:s22], $0x3200  }
0x47: {  	s17 =	sand.u32 @!p0 $0x3, s16;
	s21 =	sshrl.u32 s21, $0x2;
	[sflag:s22] =	ssyncset.done $0x0  }
.Ltmp2:
0x48: {  	s21 =	sadd.s32 $0x4E20, s21;
	[sflag:s22] =	ssyncadd.s32 $0xFFFFCE00;
	(pc) =	sbr.rel @p1 .LBB2_6-.Ltmp2, $4  }
0x49: {  	s16 =	sadd.s32 @!p0 $0x6, s17;
	s22 =	smul.u32 @!p0 $0xC800, s17;
	s17 =	sadd.s32 @!p0 $0x2, s17  }
0x4a: {  	[spmem:s2] =	stream.indirect.scatter.add.f32 [tilespmem:s21], [sflag:s18], $0x40, s0, s14, $0xb8;
	[tilespmem:$0x1B420] =	vst v63  }
0x4b: {  	s18 =	sshrl.u32 @!p0 s22, $0x2;
	s0 =	sadd.s32 $0xC8, s0;
	_ =	swait.ge @!p0 [sflag:s16], $0x3200  }
0x4c: {  	s21 =	simm.s32 @!p0 $0xC8;
	s18 =	sadd.s32 @!p0 $0x4E20, s18;
	[sflag:s16] =	ssyncset.done @!p0 $0x0  }
0x4d: {  	[sflag:s16] =	ssyncadd.s32 @!p0 $0xFFFFCE00  }
0x4e: {  	[tilespmem:s18], [sflag:s17] =	stream.indirect.gather @!p0 [hbm4b:s4+s21], $0x40, s1, s21, $0xb8;
	[tilespmem:$0x1B420] =	vst v63  }
0x4f: {  	_ =	swait.ge [sflag:s23], $0x3200  }
0x50: {  	[sflag:s23] =	ssyncset.done $0x0  }
0x51: {  	[sflag:s23] =	ssyncadd.s32 $0xFFFFCE00  }
0x52: {  	_ =	swait.ge [sflag:s24], $0x3200  }
0x53: {  	[sflag:s24] =	ssyncset.done $0x0  }
0x54: {  	[sflag:s24] =	ssyncadd.s32 $0xFFFFCE00  }
0x55: {  	_ =	swait.ge [sflag:s25], $0x3200  }
0x56: {  	[sflag:s25] =	ssyncset.done $0x0  }
0x57: {  	[sflag:s25] =	ssyncadd.s32 $0xFFFFCE00  }
0x58: {  	_ =	swait.ge [sflag:s26], $0x3200  }
0x59: {  	s29 =	sadd.s32 $0x1, s29;
	[sflag:s26] =	ssyncset.done $0x0  }
0x5a: {  	p0 =	sne.s32 s29, s7;
	[sflag:s26] =	ssyncadd.s32 $0xFFFFCE00  }
.Ltmp3:
0x5b: {  	[bflag:$0x0] =	sbarrier.arrive $0xFFFF;
	(pc) =	sbr.rel @p0 .LBB2_1-.Ltmp3, $4  }
0x5c: {  	[hbm:s6@s28], [sflag:s10] =	dma.strided [spmem:s11@s23], $0x13C0, s13, $0x8   }
0x5d: {  	_ =	swait.ge [sflag:s12], $0x13C0  }
0x5e: {  	[sflag:s12] =	ssyncset.done $0x0  }
0x5f: {  	[sflag:s12] =	ssyncadd.s32 $0xFFFFEC40  }
0x60: {  	_ =	sfence.sel $0x180000  }
0x61: {  	[bflag:$0x0] =	sbarrier.arrive $0xFFFF  }
0x62: {  	_ =	strace $0x9000004A  }
0x63: {  	s0 =	stileid.u32;
	[bflag:$0x2] =	sbarrier.arrive $0xFFFF  }
0x64: {  	p0 =	sne.s32 s0, $0x0;
	s0 =	rddreg [dreg:$0x2]  }
0x65: {  	s0 =	sadd.s32 @!p0 $0x100000, s0  }
0x66: {  	[sflag:s0] =	ssyncadd.tile.s32 @!p0 $0x1;
	_ =	shalt  }
.Lfunc_end2:
_tile_overlayer_lowered:
.L_overlay_start_2:
0x67: {  	(tag) =	ssettag $0x2  }
0x68: {  	s0 =	rddreg [dreg:$0x0];
	s2 =	stileid.u32  }
0x69: {  	s1 =	rddreg [dreg:$0x1];
	p0 =	sne.s32 s2, $0x0  }
0x6a: {  	s3 =	rddreg [dreg:$0x2];
	[bflag:$0x3] =	sbarrier.arrive $0xFFFF;
	s2 =	simm.s32 @!p0 $0x1C0A  }
0x6b: {  	[timem:s3], [sflag:s2] =	dma.local @!p0 [hbm:s0], s1  }
0x6c: {  	s0 =	simm.s32 @!p0 $0xA  }
0x6d: {  	_ =	swait.ge @!p0 [sflag:s0], s1  }
0x6e: {  	s1 =	ssub.s32 @!p0 $0x0, s1;
	[sflag:s0] =	ssyncset.done @!p0 $0x0  }
0x6f: {  	[sflag:s0] =	ssyncadd.s32 @!p0 s1  }
0x70: {  	[bflag:$0x3] =	sbarrier.arrive $0xFFFF  }
0x71: {  	_ =	shalt  }

// kernel: kernel.14.cloned.1.call-start
scs
__scs_entry_jumppad:
0x0: {  	(pc) =	sbr.rel $0x88, $3  }
0x1: {  	(tag) =	ssettag $0x0;
	lr =	simm.s32 $0x1  }
0x2: {  	[smem:$0x3F96] =	sst lr;
	_ =	strace $0xD0000000  }
0x3: {  	_ = 	snop  }
0x4: {  	_ = 	snop  }
0x5: {  	_ = 	snop  }
0x6: {  	_ = 	snop  }
0x7: {  	_ = 	snop  }
__scs_overlays_trampoline_lowered:
0x8: {  	[smem:$0x3FA5] =	sst s0  }
0x9: {  	[smem:$0x3FA6] =	sst s1  }
0xa: {  	[smem:$0x3FA7] =	sst s2  }
0xb: {  	[smem:$0x3FA8] =	sst s3  }
0xc: {  	[smem:$0x3FA9] =	sst s4  }
0xd: {  	[smem:$0x3FAA] =	sst s5  }
0xe: {  	[smem:$0x3FAB] =	sst s6  }
0xf: {  	[smem:$0x3FAC] =	sst s7  }
0x10: {  	[smem:$0x3FAD] =	sst s8  }
0x11: {  	[smem:$0x3FAE] =	sst s9;
	s0 =	simm.s32 @!p0 $0x0  }
0x12: {  	s1 =	sld [smem:$0x3F94];
	s0 =	simm.s32 @p0 $0x1  }
0x13: {  	[smem:$0x3FAF] =	sst s0;
	s0 =	simm.s32 @!p1 $0x0  }
0x14: {  	s2 =	sld [smem:$0x3F93];
	s0 =	simm.s32 @p1 $0x1  }
0x15: {  	[smem:$0x3FB0] =	sst s0;
	s0 =	simm.s32 @!p2 $0x0  }
0x16: {  	s3 =	sld [smem:$0x3FDB];
	s0 =	simm.s32 @p2 $0x1  }
0x17: {  	s4 =	simm.s32 $0x1BF5;
	[smem:$0x3FB2] =	sst s0  }
0x18: {  	s0 =	sld [smem:$0x3F95];
	_ =	swait.ge [sflag:s4], $0x0  }
0x19: {  	s7 =	sld [smem:$0x3F96]  }
0x1a: {  	s8 =	sadd.s32 $0xFFFFE003, lr  }
0x1b: {  	s9 =	sadd.s32 $0xFFFFFEF7, lr;
	s5 =	simm.s32 $0xFFFFFFFF;
	p2 =	slt.u32 s8, $0xFFFFF086  }
0x1c: {  	p1 =	slt.u32 s9, $0xF7A;
	s5 =	simm.s32 @!p2 $0x0  }
0x1d: {  	s5 =	simm.s32 @p1 $0x1;
	p0 =	seq.s32 s7, s2  }
0x1e: {  	s7 =	smul.u32 @!p0 $0xF7A, s2;
	p2 =	seq.s32 @!p0 s5, $0x0  }
0x1f: {  	s9 =	smul.u32 $0xF7A, s1;
	s8 =	simm.s32 @!p0 $0x1BF5;
	p2 =	por !p2, p0  }
0x20: {  	[sflag:s8] =	ssyncset.s32 @!p0 $0xFFFFF086;
	s6 =	sadd.s32 @!p0 s3, s7;
	s7 =	simm.s32 @!p0 $0x108  }
0x21: {  	s3 =	sadd.s32 s3, s9;
	s6 =	sadd.s32 @!p0 $0x88, s6;
	s7 =	simm.s32 @p2 $0x1082  }
0x22: {  	[simem:s7], [sflag:s8] =	dma.local @!p0 [hbm:s6], $0xF7A  }
0x23: {  	s9 =	sor.u32 $0xD0000000, s2;
	s6 =	simm.s32 $0x108;
	_ =	swait.ge @!p0 [sflag:s8], $0x0  }
0x24: {  	s3 =	sadd.s32 $0x88, s3;
	s6 =	simm.s32 @!p1 $0x1082;
	[sflag:s4] =	ssyncset.s32 $0xFFFFF086  }
0x25: {  	[simem:s6], [sflag:s4] =	dma.local [hbm:s3], $0xF7A  }
0x26: {  	[smem:$0x3F96] =	sst s1;
	(tag) =	ssettag s2;
	_ =	strace s9  }
0x27: {  	s1 =	sld [smem:$0x3FA6]  }
0x28: {  	s2 =	sld [smem:$0x3FA7]  }
0x29: {  	s4 =	sld [smem:$0x3FA9]  }
0x2a: {  	p0 =	seq.s32 s5, $0x0;
	s5 =	sld [smem:$0x3FAA]  }
0x2b: {  	s6 =	sld [smem:$0x3FAB]  }
0x2c: {  	s7 =	sld [smem:$0x3FAC]  }
0x2d: {  	s3 =	simm.s32 $0x108;
	s8 =	sld [smem:$0x3FAD]  }
0x2e: {  	s3 =	simm.s32 @!p0 $0x1082;
	s9 =	sld [smem:$0x3FAE]  }
0x2f: {  	lr =	sadd.s32 s0, s3;
	s0 =	sld [smem:$0x3FA5]  }
0x30: {  	s3 =	sld [smem:$0x3FA8]  }
0x31: {  	[smem:$0x3FB1] =	sst s10  }
0x32: {  	s10 =	sld [smem:$0x3FAF];
	_ =	sdelay $0x3  }
0x33: {  	p0 =	seq.s32 s10, $0x1;
	s10 =	sld [smem:$0x3FB1];
	_ =	sdelay $0x3  }
0x34: {  	[smem:$0x3FB1] =	sst s10  }
0x35: {  	s10 =	sld [smem:$0x3FB0];
	_ =	sdelay $0x3  }
0x36: {  	p1 =	seq.s32 s10, $0x1;
	s10 =	sld [smem:$0x3FB1];
	_ =	sdelay $0x3  }
0x37: {  	[smem:$0x3FB1] =	sst s10  }
0x38: {  	s10 =	sld [smem:$0x3FB2]  }
0x39: {  	_ = 	snop;
	(pc) =	sbr.ind lr, $3  }
0x3a: {  	_ = 	snop  }
0x3b: {  	_ = 	snop  }
0x3c: {  	p2 =	seq.s32 s10, $0x1;
	s10 =	sld [smem:$0x3FB1]  }
0x3d: {  	_ =	shalt  }
0x3e: {  	_ =	shalt  }
0x3f: {  	_ =	shalt  }
0x40: {  	_ =	shalt  }
0x41: {  	_ =	shalt  }
0x42: {  	_ =	shalt  }
0x43: {  	_ =	shalt  }
0x44: {  	_ =	shalt  }
0x45: {  	_ =	shalt  }
0x46: {  	_ =	shalt  }
0x47: {  	_ =	shalt  }
0x48: {  	_ =	shalt  }
0x49: {  	_ =	shalt  }
0x4a: {  	_ =	shalt  }
0x4b: {  	_ =	shalt  }
0x4c: {  	_ =	shalt  }
0x4d: {  	_ =	shalt  }
0x4e: {  	_ =	shalt  }
0x4f: {  	_ =	shalt  }
0x50: {  	_ =	shalt  }
0x51: {  	_ =	shalt  }
0x52: {  	_ =	shalt  }
0x53: {  	_ =	shalt  }
0x54: {  	_ =	shalt  }
0x55: {  	_ =	shalt  }
0x56: {  	_ =	shalt  }
0x57: {  	_ =	shalt  }
0x58: {  	_ =	shalt  }
0x59: {  	_ =	shalt  }
0x5a: {  	_ =	shalt  }
0x5b: {  	_ =	shalt  }
0x5c: {  	_ =	shalt  }
0x5d: {  	_ =	shalt  }
0x5e: {  	_ =	shalt  }
0x5f: {  	_ =	shalt  }
0x60: {  	_ =	shalt  }
0x61: {  	_ =	shalt  }
0x62: {  	_ =	shalt  }
0x63: {  	_ =	shalt  }
0x64: {  	_ =	shalt  }
0x65: {  	_ =	shalt  }
0x66: {  	_ =	shalt  }
0x67: {  	_ =	shalt  }
0x68: {  	_ =	shalt  }
0x69: {  	_ =	shalt  }
0x6a: {  	_ =	shalt  }
0x6b: {  	_ =	shalt  }
0x6c: {  	_ =	shalt  }
0x6d: {  	_ =	shalt  }
0x6e: {  	_ =	shalt  }
0x6f: {  	_ =	shalt  }
0x70: {  	_ =	shalt  }
0x71: {  	_ =	shalt  }
0x72: {  	_ =	shalt  }
0x73: {  	_ =	shalt  }
0x74: {  	_ =	shalt  }
0x75: {  	_ =	shalt  }
0x76: {  	_ =	shalt  }
0x77: {  	_ =	shalt  }
0x78: {  	_ =	shalt  }
0x79: {  	_ =	shalt  }
0x7a: {  	_ =	shalt  }
0x7b: {  	_ =	shalt  }
0x7c: {  	_ =	shalt  }
0x7d: {  	_ =	shalt  }
0x7e: {  	_ =	shalt  }
0x7f: {  	_ =	shalt  }
0x80: {  	_ =	shalt  }
0x81: {  	_ =	shalt  }
0x82: {  	_ =	shalt  }
0x83: {  	_ =	shalt  }
0x84: {  	_ =	shalt  }
0x85: {  	_ =	shalt  }
0x86: {  	_ =	shalt  }
0x87: {  	_ =	shalt  }
.Lfunc_end0:
.L_simem_size_0:
called_computation.2_lowered:
.L_overlay_start_0:
0x88: {  	s2 =	sld [smem:$0x3FD9]  }
0x89: {  	s3 =	sld [smem:$0x3FFE];
	_ =	sdelay $0x1  }
0x8a: {  	s1 =	srdreg.scid  }
0x8b: {  	s0 =	sand.u32 $0x1, s1  }
0x8c: {  	s16 =	sshll.u32 s0, $0xA;
	s2 =	sadd.s32 s3, s2  }
0x8d: {  	s2 =	sadd.s32 s2, s16  }
0x8e: {  	[smem:$0x3FBD] =	sst s2  }
0x8f: {  	_ = 	snop  }
0x90: {  	(tm) =	ssettm $0x1  }
0x91: {  	s17 =	sld [smem:$0x3FFB];
	_ =	sdelay $0x3  }
0x92: {  	_ =	strace s17  }
0x93: {  	s2 =	sld [smem:$0x3FFC];
	_ =	sdelay $0x3  }
0x94: {  	_ =	strace s2  }
0x95: {  	s2 =	sld [smem:$0x3FFD];
	_ =	sdelay $0x3  }
0x96: {  	_ =	strace s2  }
0x97: {  	_ =	strace $0x8FFFFFFF  }
0x98: {  	s18 =	sld [smem:$0x3FDB];
	_ =	sdelay $0x1  }
0x99: {  	s19 =	simm.s32 $_scs_section_size  }
0x9a: {  	s4 =	simm.s32 $_size__tile_overlayer_lowered;
	s5 =	simm.s32 $_tile_overlayer_lowered  }
0x9b: {  	s22 =	simm.s32 $0x1BFF;
	s21 =	sshll.u32 s5, $0x1;
	s2 =	sadd.s32 s19, s18  }
0x9c: {  	s6 =	simm.s32 $0x0;
	s20 =	sshll.u32 s4, $0x1;
	s4 =	sadd.s32 s21, s2  }
0x9d: {  	[timem:s6], [sflag:s22] =	dma.local [hbm:s4], s20  }
0x9e: {  	_ =	swait.ge [sflag:s22], s20  }
0x9f: {  	s3 =	ssub.s32 $0x0, s20;
	[sflag:s22] =	ssyncset.done $0x0  }
0xa0: {  	[sflag:s22] =	ssyncadd.s32 s3;
	_ =	sdelay $0x1  }
0xa1: {  	s23 =	simm.s32 $0x1B8B  }
0xa2: {  	_ =	swait.ge [sflag:s23], $0x1  }
0xa3: {  	[sflag:s23] =	ssyncset.done $0x0  }
0xa4: {  	s25 =	simm.s32 $0x1B8E;
	s24 =	sld [smem:$0x3FFE];
	[sflag:s23] =	ssyncadd.s32 $0xFFFFFFFF  }
0xa5: {  	s26 =	simm.s32 $execute0_lowered;
	[smem:$0x3FD2] =	sst s25  }
0xa6: {  	s4 =	sshll.u32 s26, $0x1;
	_ =	strace $0x8000004C;
	[dreg:$0x1] =	wrdreg $0xFFFFFFFF  }
0xa7: {  	s28 =	simm.s32 $_size_execute0_lowered;
	s2 =	sadd.s32 s2, s4;
	[dreg:$0x0] =	wrdreg $0x0  }
0xa8: {  	s4 =	sshll.u32 s28, $0x1;
	[dreg:$0x2] =	wrdreg s2  }
0xa9: {  	[dreg:$0x3] =	wrdreg s4  }
0xaa: {  	[dreg:$0x4] =	wrdreg $0xC0  }
0xab: {  	_ =	task [dreg:s6], $0x5FFFF  }
0xac: {  	[dreg:$0x1] =	wrdreg $0xFFFFFFFF  }
0xad: {  	[dreg:$0x0] =	wrdreg $0x60  }
0xae: {  	[dreg:$0x2] =	wrdreg s24  }
0xaf: {  	[dreg:$0x3] =	wrdreg $0x116200  }
0xb0: {  	[dreg:$0x4] =	wrdreg $0x9  }
0xb1: {  	_ =	task.clear_ibuf [dreg:s6], $0x5FFFF;
	_ =	strace $0x9000004C  }
0xb2: {  	s29 =	simm.s32 $0x9;
	_ =	strace $0x8000004E  }
0xb3: {  	_ =	swait.ge [sflag:s29], $0x1  }
0xb4: {  	[sflag:s29] =	ssyncadd.s32 $0xFFFFFFFF  }
0xb5: {  	_ =	strace $0x9000004E  }
0xb6: {  	_ =	sfence  }
0xb7: {  	s30 =	sld [smem:$0x0];
	_ =	sdelay $0x2  }
0xb8: {  	s31 =	sshll.u32 s1, $0xD;
	s1 =	sshrl.u32 s1, $0x2  }
0xb9: {  	s3 =	sand.u32 $0x4000, s31;
	s1 =	sadd.s32 s1, s30  }
0xba: {  	s0 =	sor.u32 s3, s0;
	s1 =	sshll.u32 s1, $0x11  }
0xbb: {  	s0 =	sor.u32 s1, s0  }
0xbc: {  	s0 =	sadd.s32 $0x8F2B, s0  }
0xbd: {  	[sflag:s0] =	ssyncadd.remote.s32 $0x1  }
0xbe: {  	_ =	sfence.sel $0xFFFF  }
0xbf: {  	[dreg:$0x0] =	wrdreg $0xFFFFFFFF;
	(pc) =	sbr.abs _section_cstart, $3  }
0xc0: {  	[dreg:$0x1] =	wrdreg $0xFFFFFFFF  }
0xc1: {  	_ =	task.clear_ibuf [dreg:s6], $0x2FFFF;
	_ =	strace $0x9FFFFFFF  }
0xc2: {  	(tm) =	ssettm $0x7FFFFFFF  }
0xc3: {  	_ =	shalt  }
tec
execute0_lowered:
.L_overlay_start_1:
0x0: {  	(tag) =	ssettag $0x1  }
0x1: {  	s0 =	rddreg [dreg:$0x0]  }
0x2: {  	s2 =	rddreg [dreg:$0x1];
	s13 =	stileid.u32  }
0x3: {  	s1 =	srdreg.scid;
	s3 =	simm.s32 $0x0;
	s14 =	simm.s32 $0x190  }
0x4: {  	s15 =	simm.s32 $0x4E20;
	s19 =	simm.s32 $0x2;
	s20 =	simm.s32 $0x2710  }
0x5: {  	s23 =	simm.s32 $0x7;
	s24 =	simm.s32 $0x8;
	s25 =	simm.s32 $0x9  }
0x6: {  	s29 =	simm.s32 $0x4;
	s30 =	simm.s32 $0x0;
	s5 =	smul.u32 $0x4F00, s13  }
0x7: {  	s1 =	sand.u32 $0x1, s1;
	[smem:$0x7FF] =	sst s3;
	s8 =	smul.u32 $0x13C00, s13  }
0x8: {  	s9 =	sadd.s32 $0x2800, s0;
	s4 =	sadd.s32 $0x16200, s0;
	s11 =	smul.u32 $0x2710, s13  }
0x9: {  	s31 =	sshll.u32 s13, $0x6;
	s13 =	simm.s32 $0x1;
	s6 =	smul.u32 $0x13C000, s1  }
0xa: {  	_ =	strace $0x8000004D;
	s26 =	ssub.s32 $0x2, s1;
	s1 =	smul.u32 $0x27100, s1  }
0xb: {  	s7 =	sshrl.u32 s5, $0x3;
	s10 =	sshrl.u32 s26, $0x1;
	s12 =	sadd.s32 s5, s2  }
0xc: {  	s7 =	sadd.s32 s7, s0;
	s6 =	sadd.s32 s8, s6;
	s8 =	ssub.s32 s26, s10  }
0xd: {  	s28 =	sadd.s32 s11, s1;
	s10 =	sor.u32 $0x1C0A, s31;
	s6 =	sshrl.u32 s6, $0x3  }
0xe: {  	s11 =	sshrl.u32 s12, $0x3;
	s12 =	simm.s32 $0xA;
	s0 =	sadd.s32 s6, s0  }
0xf: {  	s26 =	simm.s32 $0x6;
	s6 =	sadd.s32 $0x29E00, s0;
	s0 =	sadd.s32 $0x4E200, s28  }
0x10: {  	s5 =	sadd.s32 $0x20000, s7;
	s1 =	sshrl.u32 s28, $0x3;
	s0 =	sshrl.u32 s0, $0x3  }
0x11: {  	s7 =	smax.u32 s8, $0x1;
	s8 =	sadd.s32 s1, s9;
	s9 =	sadd.s32 s0, s9  }
.LBB2_1:
0x12: {  	s0 =	sadd.s32 $0x0, s8;
	s31 =	sadd.s32 $0x0, s9  }
0x13: {  	[tilespmem:s3], [sflag:$0x1] =	stream.linear.gather [hbm4b:s0+s3], $0x190, $0x38;
	[tilespmem:$0x16520] =	vst v63  }
0x14: {  	s1 =	simm.s32 $0x190;
	s16 =	simm.s32 $0x2710;
	s0 =	simm.s32 $0x32  }
0x15: {  	[tilespmem:s20], [sflag:$0x1] =	stream.linear.gather [hbm4b:s31+s3], $0x190, $0x38;
	[tilespmem:$0x16520] =	vst v63  }
.LBB2_2:
0x16: {  	s17 =	sadd.s32 s0, s8  }
0x17: {  	p0 =	sne.s32 s0, $0x4B0;
	s18 =	smov.u32 s0;
	s0 =	sadd.s32 $0x32, s0  }
0x18: {  	[tilespmem:s1], [sflag:$0x1] =	stream.linear.gather [hbm4b:s17+s3], $0x190, $0x38;
	[tilespmem:$0x16520] =	vst v63  }
.Ltmp0:
0x19: {  	_ = 	snop;
	(pc) =	sbr.rel @p0 .LBB2_2-.Ltmp0, $4  }
0x1a: {  	s16 =	sadd.s32 $0x190, s16;
	s17 =	sadd.s32 s18, s9  }
0x1b: {  	[tilespmem:s16], [sflag:$0x1] =	stream.linear.gather [hbm4b:s17+s3], $0x190, $0x38;
	[tilespmem:$0x16520] =	vst v63  }
0x1c: {  	_ = 	snop  }
0x1d: {  	s1 =	sadd.s32 $0x190, s1  }
0x1e: {  	[spmem:s11], [sflag:s10] =	dma.local [hbm:s5], $0x9E0  }
0x1f: {  	_ =	swait.ge [sflag:s12], $0x9E0  }
0x20: {  	[sflag:s12] =	ssyncset.done $0x0  }
0x21: {  	[sflag:s12] =	ssyncadd.s32 $0xFFFFF620  }
0x22: {  	_ =	swait.ge [sflag:s13], $0x190  }
0x23: {  	[sflag:s13] =	ssyncset.done $0x0  }
0x24: {  	[sflag:s13] =	ssyncadd.s32 $0xFFFFFE70  }
0x25: {  	_ =	swait.ge [sflag:s13], $0x190  }
0x26: {  	s0 =	simm.s32 $0x18;
	[sflag:s13] =	ssyncset.done $0x0  }
.LBB2_4:
0x27: {  	p0 =	sne.s32 s0, $0x1;
	s0 =	sadd.s32 $0xFFFFFFFF, s0;
	[sflag:s13] =	ssyncadd.s32 $0xFFFFFE70  }
.Ltmp1:
0x28: {  	_ =	swait.ge [sflag:s13], $0x190;
	(pc) =	sbr.rel @p0 .LBB2_4-.Ltmp1, $4  }
0x29: {  	[sflag:s13] =	ssyncset.done $0x0  }
0x2a: {  	[sflag:s13] =	ssyncadd.s32 $0xFFFFFE70  }
0x2b: {  	_ =	swait.ge [sflag:s13], $0x190  }
0x2c: {  	[sflag:s13] =	ssyncset.done $0x0  }
0x2d: {  	[sflag:s13] =	ssyncadd.s32 $0xFFFFFE70  }
0x2e: {  	[bflag:$0x0] =	sbarrier.arrive $0xFFFF  }
0x2f: {  	[tilespmem:s15], [sflag:$0x2] =	stream.indirect.gather [hbm4b:s4+s14], $0x20, s3, s14, $0xb8;
	[tilespmem:$0x16520] =	vst v63  }
0x30: {  	s0 =	simm.s32 $0x8020  }
0x31: {  	[tilespmem:s0], [sflag:$0x3] =	stream.indirect.gather [hbm4b:s4+s14], $0x20, s14, s14, $0xb8;
	[tilespmem:$0x16520] =	vst v63  }
0x32: {  	s18 =	simm.s32 $0x320;
	s1 =	simm.s32 $0xB220;
	s21 =	simm.s32 $0x4B0  }
0x33: {  	[tilespmem:s1], [sflag:$0x4] =	stream.indirect.gather [hbm4b:s4+s14], $0x20, s18, s14, $0xb8;
	[tilespmem:$0x16520] =	vst v63  }
0x34: {  	s22 =	simm.s32 $0xE420;
	s28 =	simm.s32 $0x1;
	_ =	swait.ge [sflag:s19], $0x3200  }
0x35: {  	s31 =	simm.s32 $0x640;
	s0 =	sand.u32 $0x3, s28;
	[sflag:s19] =	ssyncset.done $0x0  }
0x36: {  	p0 =	por $0x0, $0x0;
	s16 =	smul.u32 $0xC800, s0;
	[sflag:s19] =	ssyncadd.s32 $0xFFFFCE00  }
0x37: {  	[spmem:s2] =	stream.indirect.scatter.add.f32 [tilespmem:s15], [sflag:$0x6], $0x20, s20, s14, $0xb8;
	[tilespmem:$0x16520] =	vst v63  }
0x38: {  	s17 =	sadd.s32 $0x2, s0;
	s0 =	sadd.s32 $0x6, s0;
	s1 =	simm.s32 $0x4  }
0x39: {  	[tilespmem:s22], [sflag:$0x5] =	stream.indirect.gather [hbm4b:s4+s14], $0x20, s21, s14, $0xb8;
	[tilespmem:$0x16520] =	vst v63  }
0x3a: {  	s18 =	simm.s32 $0x28A0;
	s16 =	sshrl.u32 s16, $0x2;
	_ =	swait.ge [sflag:s17], $0x3200  }
0x3b: {  	s1 =	sand.u32 @!p0 $0x3, s1;
	s16 =	sadd.s32 $0x4E20, s16;
	[sflag:s17] =	ssyncset.done $0x0  }
0x3c: {  	s21 =	smul.u32 @!p0 $0xC800, s1;
	s22 =	simm.s32 @!p0 $0x190;
	[sflag:s17] =	ssyncadd.s32 $0xFFFFCE00  }
0x3d: {  	[spmem:s2] =	stream.indirect.scatter.add.f32 [tilespmem:s16], [sflag:s0], $0x20, s18, s14, $0xb8;
	[tilespmem:$0x16520] =	vst v63  }
0x3e: {  	s17 =	sadd.s32 @!p0 $0x6, s1;
	s0 =	simm.s32 $0x5;
	s18 =	sadd.s32 @!p0 $0x2, s1  }
0x3f: {  	s16 =	sshrl.u32 @!p0 s21, $0x2;
	s1 =	simm.s32 $0x2A30;
	_ =	swait.ge @!p0 [sflag:s17], $0x3200  }
0x40: {  	s21 =	sadd.s32 @!p0 $0x4E20, s16;
	s16 =	simm.s32 $0x640;
	[sflag:s17] =	ssyncset.done @!p0 $0x0  }
.LBB2_6:
0x41: {  	[sflag:s17] =	ssyncadd.s32 @!p0 $0xFFFFCE00  }
0x42: {  	s31 =	sadd.s32 $0x190, s31;
	s17 =	smov.u32 s0;
	s0 =	sadd.s32 $0x1, s0  }
0x43: {  	[tilespmem:s21], [sflag:s18] =	stream.indirect.gather @!p0 [hbm4b:s4+s22], $0x20, s16, s22, $0xb8;
	[tilespmem:$0x16520] =	vst v63  }
0x44: {  	s18 =	sadd.s32 $0xFFFFFFFD, s17;
	p1 =	sne.s32 s0, $0x1C;
	s16 =	smov.u32 s31  }
0x45: {  	s21 =	sand.u32 $0x3, s18  }
0x46: {  	s22 =	smul.u32 $0xC800, s21;
	s28 =	sadd.s32 $0x2, s21  }
0x47: {  	p0 =	sgt.u32 s18, $0x15;
	s21 =	sadd.s32 $0x6, s21;
	_ =	swait.ge [sflag:s28], $0x3200  }
0x48: {  	s18 =	sand.u32 @!p0 $0x3, s17;
	s22 =	sshrl.u32 s22, $0x2;
	[sflag:s28] =	ssyncset.done $0x0  }
.Ltmp2:
0x49: {  	s22 =	sadd.s32 $0x4E20, s22;
	[sflag:s28] =	ssyncadd.s32 $0xFFFFCE00;
	(pc) =	sbr.rel @p1 .LBB2_6-.Ltmp2, $4  }
0x4a: {  	s17 =	sadd.s32 @!p0 $0x6, s18;
	s28 =	smul.u32 @!p0 $0xC800, s18;
	s18 =	sadd.s32 @!p0 $0x2, s18  }
0x4b: {  	[spmem:s2] =	stream.indirect.scatter.add.f32 [tilespmem:s22], [sflag:s21], $0x20, s1, s14, $0xb8;
	[tilespmem:$0x16520] =	vst v63  }
0x4c: {  	s21 =	sshrl.u32 @!p0 s28, $0x2;
	s1 =	sadd.s32 $0x190, s1;
	_ =	swait.ge @!p0 [sflag:s17], $0x3200  }
0x4d: {  	s22 =	simm.s32 @!p0 $0x190;
	s21 =	sadd.s32 @!p0 $0x4E20, s21;
	[sflag:s17] =	ssyncset.done @!p0 $0x0  }
0x4e: {  	[sflag:s17] =	ssyncadd.s32 @!p0 $0xFFFFCE00  }
0x4f: {  	[tilespmem:s21], [sflag:s18] =	stream.indirect.gather @!p0 [hbm4b:s4+s22], $0x20, s16, s22, $0xb8;
	[tilespmem:$0x16520] =	vst v63  }
0x50: {  	_ =	swait.ge [sflag:s23], $0x3200  }
0x51: {  	[sflag:s23] =	ssyncset.done $0x0  }
0x52: {  	[sflag:s23] =	ssyncadd.s32 $0xFFFFCE00  }
0x53: {  	_ =	swait.ge [sflag:s24], $0x3200  }
0x54: {  	[sflag:s24] =	ssyncset.done $0x0  }
0x55: {  	[sflag:s24] =	ssyncadd.s32 $0xFFFFCE00  }
0x56: {  	_ =	swait.ge [sflag:s25], $0x3200  }
0x57: {  	[sflag:s25] =	ssyncset.done $0x0  }
0x58: {  	[sflag:s25] =	ssyncadd.s32 $0xFFFFCE00  }
0x59: {  	_ =	swait.ge [sflag:s26], $0x3200  }
0x5a: {  	s30 =	sadd.s32 $0x1, s30;
	[sflag:s26] =	ssyncset.done $0x0  }
0x5b: {  	p0 =	sne.s32 s30, s7;
	[sflag:s26] =	ssyncadd.s32 $0xFFFFCE00  }
.Ltmp3:
0x5c: {  	s0 =	simm.s32 $0x10;
	[bflag:$0x0] =	sbarrier.arrive $0xFFFF;
	(pc) =	sbr.rel @p0 .LBB2_1-.Ltmp3, $4  }
0x5d: {  	[hbm:s6@s0], [sflag:s10] =	dma.strided [spmem:s11@s29], $0x9E0, s13, $0x4   }
0x5e: {  	_ =	swait.ge [sflag:s12], $0x9E0  }
0x5f: {  	[sflag:s12] =	ssyncset.done $0x0  }
0x60: {  	[sflag:s12] =	ssyncadd.s32 $0xFFFFF620  }
0x61: {  	_ =	sfence.sel $0x180000  }
0x62: {  	[bflag:$0x0] =	sbarrier.arrive $0xFFFF  }
0x63: {  	_ =	strace $0x9000004D  }
0x64: {  	s0 =	stileid.u32;
	[bflag:$0x2] =	sbarrier.arrive $0xFFFF  }
0x65: {  	p0 =	sne.s32 s0, $0x0;
	s0 =	rddreg [dreg:$0x2]  }
0x66: {  	s0 =	sadd.s32 @!p0 $0x100000, s0  }
0x67: {  	[sflag:s0] =	ssyncadd.tile.s32 @!p0 $0x1;
	_ =	shalt  }
.Lfunc_end2:
_tile_overlayer_lowered:
.L_overlay_start_2:
0x68: {  	(tag) =	ssettag $0x2  }
0x69: {  	s0 =	rddreg [dreg:$0x0];
	s2 =	stileid.u32  }
0x6a: {  	s1 =	rddreg [dreg:$0x1];
	p0 =	sne.s32 s2, $0x0  }
0x6b: {  	s3 =	rddreg [dreg:$0x2];
	[bflag:$0x3] =	sbarrier.arrive $0xFFFF;
	s2 =	simm.s32 @!p0 $0x1C0A  }
0x6c: {  	[timem:s3], [sflag:s2] =	dma.local @!p0 [hbm:s0], s1  }
0x6d: {  	s0 =	simm.s32 @!p0 $0xA  }
0x6e: {  	_ =	swait.ge @!p0 [sflag:s0], s1  }
0x6f: {  	s1 =	ssub.s32 @!p0 $0x0, s1;
	[sflag:s0] =	ssyncset.done @!p0 $0x0  }
0x70: {  	[sflag:s0] =	ssyncadd.s32 @!p0 s1  }
0x71: {  	[bflag:$0x3] =	sbarrier.arrive $0xFFFF  }
0x72: {  	_ =	shalt  }

// kernel: kernel.8.cloned.1.call-start
scs
__scs_entry_jumppad:
0x0: {  	(pc) =	sbr.rel $0x88, $3  }
0x1: {  	(tag) =	ssettag $0x0;
	lr =	simm.s32 $0x1  }
0x2: {  	[smem:$0x3F96] =	sst lr;
	_ =	strace $0xD0000000  }
0x3: {  	_ = 	snop  }
0x4: {  	_ = 	snop  }
0x5: {  	_ = 	snop  }
0x6: {  	_ = 	snop  }
0x7: {  	_ = 	snop  }
__scs_overlays_trampoline_lowered:
0x8: {  	[smem:$0x3FA5] =	sst s0  }
0x9: {  	[smem:$0x3FA6] =	sst s1  }
0xa: {  	[smem:$0x3FA7] =	sst s2  }
0xb: {  	[smem:$0x3FA8] =	sst s3  }
0xc: {  	[smem:$0x3FA9] =	sst s4  }
0xd: {  	[smem:$0x3FAA] =	sst s5  }
0xe: {  	[smem:$0x3FAB] =	sst s6  }
0xf: {  	[smem:$0x3FAC] =	sst s7  }
0x10: {  	[smem:$0x3FAD] =	sst s8  }
0x11: {  	[smem:$0x3FAE] =	sst s9;
	s0 =	simm.s32 @!p0 $0x0  }
0x12: {  	s1 =	sld [smem:$0x3F94];
	s0 =	simm.s32 @p0 $0x1  }
0x13: {  	[smem:$0x3FAF] =	sst s0;
	s0 =	simm.s32 @!p1 $0x0  }
0x14: {  	s2 =	sld [smem:$0x3F93];
	s0 =	simm.s32 @p1 $0x1  }
0x15: {  	[smem:$0x3FB0] =	sst s0;
	s0 =	simm.s32 @!p2 $0x0  }
0x16: {  	s3 =	sld [smem:$0x3FDB];
	s0 =	simm.s32 @p2 $0x1  }
0x17: {  	s4 =	simm.s32 $0x1BF5;
	[smem:$0x3FB2] =	sst s0  }
0x18: {  	s0 =	sld [smem:$0x3F95];
	_ =	swait.ge [sflag:s4], $0x0  }
0x19: {  	s7 =	sld [smem:$0x3F96]  }
0x1a: {  	s8 =	sadd.s32 $0xFFFFE003, lr  }
0x1b: {  	s9 =	sadd.s32 $0xFFFFFEF7, lr;
	s5 =	simm.s32 $0xFFFFFFFF;
	p2 =	slt.u32 s8, $0xFFFFF086  }
0x1c: {  	p1 =	slt.u32 s9, $0xF7A;
	s5 =	simm.s32 @!p2 $0x0  }
0x1d: {  	s5 =	simm.s32 @p1 $0x1;
	p0 =	seq.s32 s7, s2  }
0x1e: {  	s7 =	smul.u32 @!p0 $0xF7A, s2;
	p2 =	seq.s32 @!p0 s5, $0x0  }
0x1f: {  	s9 =	smul.u32 $0xF7A, s1;
	s8 =	simm.s32 @!p0 $0x1BF5;
	p2 =	por !p2, p0  }
0x20: {  	[sflag:s8] =	ssyncset.s32 @!p0 $0xFFFFF086;
	s6 =	sadd.s32 @!p0 s3, s7;
	s7 =	simm.s32 @!p0 $0x108  }
0x21: {  	s3 =	sadd.s32 s3, s9;
	s6 =	sadd.s32 @!p0 $0x88, s6;
	s7 =	simm.s32 @p2 $0x1082  }
0x22: {  	[simem:s7], [sflag:s8] =	dma.local @!p0 [hbm:s6], $0xF7A  }
0x23: {  	s9 =	sor.u32 $0xD0000000, s2;
	s6 =	simm.s32 $0x108;
	_ =	swait.ge @!p0 [sflag:s8], $0x0  }
0x24: {  	s3 =	sadd.s32 $0x88, s3;
	s6 =	simm.s32 @!p1 $0x1082;
	[sflag:s4] =	ssyncset.s32 $0xFFFFF086  }
0x25: {  	[simem:s6], [sflag:s4] =	dma.local [hbm:s3], $0xF7A  }
0x26: {  	[smem:$0x3F96] =	sst s1;
	(tag) =	ssettag s2;
	_ =	strace s9  }
0x27: {  	s1 =	sld [smem:$0x3FA6]  }
0x28: {  	s2 =	sld [smem:$0x3FA7]  }
0x29: {  	s4 =	sld [smem:$0x3FA9]  }
0x2a: {  	p0 =	seq.s32 s5, $0x0;
	s5 =	sld [smem:$0x3FAA]  }
0x2b: {  	s6 =	sld [smem:$0x3FAB]  }
0x2c: {  	s7 =	sld [smem:$0x3FAC]  }
0x2d: {  	s3 =	simm.s32 $0x108;
	s8 =	sld [smem:$0x3FAD]  }
0x2e: {  	s3 =	simm.s32 @!p0 $0x1082;
	s9 =	sld [smem:$0x3FAE]  }
0x2f: {  	lr =	sadd.s32 s0, s3;
	s0 =	sld [smem:$0x3FA5]  }
0x30: {  	s3 =	sld [smem:$0x3FA8]  }
0x31: {  	[smem:$0x3FB1] =	sst s10  }
0x32: {  	s10 =	sld [smem:$0x3FAF];
	_ =	sdelay $0x3  }
0x33: {  	p0 =	seq.s32 s10, $0x1;
	s10 =	sld [smem:$0x3FB1];
	_ =	sdelay $0x3  }
0x34: {  	[smem:$0x3FB1] =	sst s10  }
0x35: {  	s10 =	sld [smem:$0x3FB0];
	_ =	sdelay $0x3  }
0x36: {  	p1 =	seq.s32 s10, $0x1;
	s10 =	sld [smem:$0x3FB1];
	_ =	sdelay $0x3  }
0x37: {  	[smem:$0x3FB1] =	sst s10  }
0x38: {  	s10 =	sld [smem:$0x3FB2]  }
0x39: {  	_ = 	snop;
	(pc) =	sbr.ind lr, $3  }
0x3a: {  	_ = 	snop  }
0x3b: {  	_ = 	snop  }
0x3c: {  	p2 =	seq.s32 s10, $0x1;
	s10 =	sld [smem:$0x3FB1]  }
0x3d: {  	_ =	shalt  }
0x3e: {  	_ =	shalt  }
0x3f: {  	_ =	shalt  }
0x40: {  	_ =	shalt  }
0x41: {  	_ =	shalt  }
0x42: {  	_ =	shalt  }
0x43: {  	_ =	shalt  }
0x44: {  	_ =	shalt  }
0x45: {  	_ =	shalt  }
0x46: {  	_ =	shalt  }
0x47: {  	_ =	shalt  }
0x48: {  	_ =	shalt  }
0x49: {  	_ =	shalt  }
0x4a: {  	_ =	shalt  }
0x4b: {  	_ =	shalt  }
0x4c: {  	_ =	shalt  }
0x4d: {  	_ =	shalt  }
0x4e: {  	_ =	shalt  }
0x4f: {  	_ =	shalt  }
0x50: {  	_ =	shalt  }
0x51: {  	_ =	shalt  }
0x52: {  	_ =	shalt  }
0x53: {  	_ =	shalt  }
0x54: {  	_ =	shalt  }
0x55: {  	_ =	shalt  }
0x56: {  	_ =	shalt  }
0x57: {  	_ =	shalt  }
0x58: {  	_ =	shalt  }
0x59: {  	_ =	shalt  }
0x5a: {  	_ =	shalt  }
0x5b: {  	_ =	shalt  }
0x5c: {  	_ =	shalt  }
0x5d: {  	_ =	shalt  }
0x5e: {  	_ =	shalt  }
0x5f: {  	_ =	shalt  }
0x60: {  	_ =	shalt  }
0x61: {  	_ =	shalt  }
0x62: {  	_ =	shalt  }
0x63: {  	_ =	shalt  }
0x64: {  	_ =	shalt  }
0x65: {  	_ =	shalt  }
0x66: {  	_ =	shalt  }
0x67: {  	_ =	shalt  }
0x68: {  	_ =	shalt  }
0x69: {  	_ =	shalt  }
0x6a: {  	_ =	shalt  }
0x6b: {  	_ =	shalt  }
0x6c: {  	_ =	shalt  }
0x6d: {  	_ =	shalt  }
0x6e: {  	_ =	shalt  }
0x6f: {  	_ =	shalt  }
0x70: {  	_ =	shalt  }
0x71: {  	_ =	shalt  }
0x72: {  	_ =	shalt  }
0x73: {  	_ =	shalt  }
0x74: {  	_ =	shalt  }
0x75: {  	_ =	shalt  }
0x76: {  	_ =	shalt  }
0x77: {  	_ =	shalt  }
0x78: {  	_ =	shalt  }
0x79: {  	_ =	shalt  }
0x7a: {  	_ =	shalt  }
0x7b: {  	_ =	shalt  }
0x7c: {  	_ =	shalt  }
0x7d: {  	_ =	shalt  }
0x7e: {  	_ =	shalt  }
0x7f: {  	_ =	shalt  }
0x80: {  	_ =	shalt  }
0x81: {  	_ =	shalt  }
0x82: {  	_ =	shalt  }
0x83: {  	_ =	shalt  }
0x84: {  	_ =	shalt  }
0x85: {  	_ =	shalt  }
0x86: {  	_ =	shalt  }
0x87: {  	_ =	shalt  }
.Lfunc_end0:
.L_simem_size_0:
called_computation_lowered:
.L_overlay_start_0:
0x88: {  	s2 =	sld [smem:$0x3FD9]  }
0x89: {  	s3 =	sld [smem:$0x3FFE];
	_ =	sdelay $0x1  }
0x8a: {  	s1 =	srdreg.scid  }
0x8b: {  	s0 =	sand.u32 $0x1, s1  }
0x8c: {  	s16 =	sshll.u32 s0, $0xA;
	s2 =	sadd.s32 s3, s2  }
0x8d: {  	s2 =	sadd.s32 s2, s16  }
0x8e: {  	[smem:$0x3FBD] =	sst s2  }
0x8f: {  	_ = 	snop  }
0x90: {  	(tm) =	ssettm $0x1  }
0x91: {  	s17 =	sld [smem:$0x3FFB];
	_ =	sdelay $0x3  }
0x92: {  	_ =	strace s17  }
0x93: {  	s2 =	sld [smem:$0x3FFC];
	_ =	sdelay $0x3  }
0x94: {  	_ =	strace s2  }
0x95: {  	s2 =	sld [smem:$0x3FFD];
	_ =	sdelay $0x3  }
0x96: {  	_ =	strace s2  }
0x97: {  	_ =	strace $0x8FFFFFFF  }
0x98: {  	s18 =	sld [smem:$0x3FDB];
	_ =	sdelay $0x1  }
0x99: {  	s19 =	simm.s32 $_scs_section_size  }
0x9a: {  	s4 =	simm.s32 $_size__tile_overlayer_lowered;
	s5 =	simm.s32 $_tile_overlayer_lowered  }
0x9b: {  	s22 =	simm.s32 $0x1BFF;
	s21 =	sshll.u32 s5, $0x1;
	s2 =	sadd.s32 s19, s18  }
0x9c: {  	s6 =	simm.s32 $0x0;
	s20 =	sshll.u32 s4, $0x1;
	s4 =	sadd.s32 s21, s2  }
0x9d: {  	[timem:s6], [sflag:s22] =	dma.local [hbm:s4], s20  }
0x9e: {  	_ =	swait.ge [sflag:s22], s20  }
0x9f: {  	s3 =	ssub.s32 $0x0, s20;
	[sflag:s22] =	ssyncset.done $0x0  }
0xa0: {  	[sflag:s22] =	ssyncadd.s32 s3;
	_ =	sdelay $0x1  }
0xa1: {  	s23 =	simm.s32 $0x1B8B  }
0xa2: {  	_ =	swait.ge [sflag:s23], $0x1  }
0xa3: {  	[sflag:s23] =	ssyncset.done $0x0  }
0xa4: {  	s25 =	simm.s32 $0x1B8E;
	s24 =	sld [smem:$0x3FFE];
	[sflag:s23] =	ssyncadd.s32 $0xFFFFFFFF  }
0xa5: {  	s26 =	simm.s32 $execute0_lowered;
	[smem:$0x3FD2] =	sst s25  }
0xa6: {  	s4 =	sshll.u32 s26, $0x1;
	_ =	strace $0x80000046;
	[dreg:$0x1] =	wrdreg $0xFFFFFFFF  }
0xa7: {  	s28 =	simm.s32 $_size_execute0_lowered;
	s2 =	sadd.s32 s2, s4;
	[dreg:$0x0] =	wrdreg $0x0  }
0xa8: {  	s4 =	sshll.u32 s28, $0x1;
	[dreg:$0x2] =	wrdreg s2  }
0xa9: {  	[dreg:$0x3] =	wrdreg s4  }
0xaa: {  	[dreg:$0x4] =	wrdreg $0xC0  }
0xab: {  	_ =	task [dreg:s6], $0x5FFFF  }
0xac: {  	[dreg:$0x1] =	wrdreg $0xFFFFFFFF  }
0xad: {  	[dreg:$0x0] =	wrdreg $0x60  }
0xae: {  	[dreg:$0x2] =	wrdreg s24  }
0xaf: {  	[dreg:$0x3] =	wrdreg $0xA4100  }
0xb0: {  	[dreg:$0x4] =	wrdreg $0x9  }
0xb1: {  	_ =	task.clear_ibuf [dreg:s6], $0x5FFFF;
	_ =	strace $0x90000046  }
0xb2: {  	s29 =	simm.s32 $0x9;
	_ =	strace $0x80000048  }
0xb3: {  	_ =	swait.ge [sflag:s29], $0x1  }
0xb4: {  	[sflag:s29] =	ssyncadd.s32 $0xFFFFFFFF  }
0xb5: {  	_ =	strace $0x90000048  }
0xb6: {  	_ =	sfence  }
0xb7: {  	s30 =	sld [smem:$0x0];
	_ =	sdelay $0x2  }
0xb8: {  	s31 =	sshll.u32 s1, $0xD;
	s1 =	sshrl.u32 s1, $0x2  }
0xb9: {  	s3 =	sand.u32 $0x4000, s31;
	s1 =	sadd.s32 s1, s30  }
0xba: {  	s0 =	sor.u32 s3, s0;
	s1 =	sshll.u32 s1, $0x11  }
0xbb: {  	s0 =	sor.u32 s1, s0  }
0xbc: {  	s0 =	sadd.s32 $0x8F2B, s0  }
0xbd: {  	[sflag:s0] =	ssyncadd.remote.s32 $0x1  }
0xbe: {  	_ =	sfence.sel $0xFFFF  }
0xbf: {  	[dreg:$0x0] =	wrdreg $0xFFFFFFFF;
	(pc) =	sbr.abs _section_cstart, $3  }
0xc0: {  	[dreg:$0x1] =	wrdreg $0xFFFFFFFF  }
0xc1: {  	_ =	task.clear_ibuf [dreg:s6], $0x2FFFF;
	_ =	strace $0x9FFFFFFF  }
0xc2: {  	(tm) =	ssettm $0x7FFFFFFF  }
0xc3: {  	_ =	shalt  }
tec
execute0_lowered:
.L_overlay_start_1:
0x0: {  	(tag) =	ssettag $0x1  }
0x1: {  	s0 =	srdreg.scid  }
0x2: {  	s20 =	sand.u32 $0x1, s0  }
0x3: {  	s0 =	stileid.u32;
	s1 =	sshll.u32 s20, $0x4  }
0x4: {  	s1 =	sor.u32 s0, s1  }
0x5: {  	s4 =	smul.u32 $0x2710, s1  }
0x6: {  	s21 =	rddreg [dreg:$0x0]  }
0x7: {  	s2 =	rddreg [dreg:$0x1];
	s3 =	simm.s32 $0x0;
	s4 =	sshrl.u32 s4, $0x3  }
0x8: {  	[smem:$0x7FF] =	sst s3;
	s11 =	sadd.s32 s4, s21  }
0x9: {  	s1 =	rddreg [dreg:$0x2];
	_ =	strace $0x80000047;
	s4 =	sadd.s32 $0xC440, s11  }
0xa: {  	[tilespmem:s3], [sflag:$0x1] =	stream.linear.gather [hbm4b:s4+s3], $0x7D0, $0x38;
	[tilespmem:$0xCB90] =	vst v63  }
0xb: {  	s6 =	simm.s32 $0x7D0;
	s5 =	sadd.s32 $0xC53A, s11  }
0xc: {  	[tilespmem:s6], [sflag:$0x1] =	stream.linear.gather [hbm4b:s5+s3], $0x7D0, $0x38;
	[tilespmem:$0xCB90] =	vst v63  }
0xd: {  	s8 =	simm.s32 $0xFA0;
	s7 =	sadd.s32 $0xC634, s11  }
0xe: {  	[tilespmem:s8], [sflag:$0x1] =	stream.linear.gather [hbm4b:s7+s3], $0x7D0, $0x38;
	[tilespmem:$0xCB90] =	vst v63  }
0xf: {  	s10 =	simm.s32 $0x1770;
	s9 =	sadd.s32 $0xC72E, s11  }
0x10: {  	[tilespmem:s10], [sflag:$0x1] =	stream.linear.gather [hbm4b:s9+s3], $0x7D0, $0x38;
	[tilespmem:$0xCB90] =	vst v63  }
0x11: {  	s12 =	simm.s32 $0x1F40;
	s11 =	sadd.s32 $0xC828, s11  }
0x12: {  	[tilespmem:s12], [sflag:$0x1] =	stream.linear.gather [hbm4b:s11+s3], $0x7D0, $0x38;
	[tilespmem:$0xCB90] =	vst v63  }
0x13: {  	s15 =	simm.s32 $0x2710;
	s14 =	simm.s32 $0x2;
	s13 =	sadd.s32 $0x1B200, s21  }
0x14: {  	[tilespmem:s15], [sflag:$0x2] =	stream.linear.gather [hbm4b:s13+s3], $0x7D00, $0x38;
	[tilespmem:$0xCB90] =	vst v63  }
0x15: {  	_ =	swait.ge [sflag:s14], $0x7D00  }
0x16: {  	[sflag:s14] =	ssyncset.done $0x0  }
0x17: {  	s16 =	simm.s32 $0x1;
	[sflag:s14] =	ssyncadd.s32 $0xFFFF8300  }
0x18: {  	_ =	swait.ge [sflag:s16], $0x7D0  }
0x19: {  	[sflag:s16] =	ssyncset.done $0x0  }
0x1a: {  	[sflag:s16] =	ssyncadd.s32 $0xFFFFF830  }
0x1b: {  	_ =	swait.ge [sflag:s16], $0x7D0  }
0x1c: {  	[sflag:s16] =	ssyncset.done $0x0  }
0x1d: {  	[sflag:s16] =	ssyncadd.s32 $0xFFFFF830  }
0x1e: {  	_ =	swait.ge [sflag:s16], $0x7D0  }
0x1f: {  	[sflag:s16] =	ssyncset.done $0x0  }
0x20: {  	[sflag:s16] =	ssyncadd.s32 $0xFFFFF830  }
0x21: {  	_ =	swait.ge [sflag:s16], $0x7D0  }
0x22: {  	s17 =	smul.u32 $0x2780, s0;
	[sflag:s16] =	ssyncset.done $0x0  }
0x23: {  	s30 =	sshll.u32 s0, $0x6;
	[sflag:s16] =	ssyncadd.s32 $0xFFFFF830  }
0x24: {  	s18 =	sshrl.u32 s17, $0x3;
	s19 =	sadd.s32 s17, s2;
	_ =	swait.ge [sflag:s16], $0x7D0  }
0x25: {  	s18 =	sadd.s32 s18, s21;
	s19 =	sshrl.u32 s19, $0x3;
	[sflag:s16] =	ssyncset.done $0x0  }
0x26: {  	s17 =	sadd.s32 $0x16200, s18;
	s18 =	sor.u32 $0x1C02, s30;
	[sflag:s16] =	ssyncadd.s32 $0xFFFFF830  }
0x27: {  	[spmem:s19], [sflag:s18] =	dma.local [hbm:s17], $0x4F0  }
0x28: {  	_ =	swait.ge [sflag:s14], $0x4F0  }
0x29: {  	[sflag:s14] =	ssyncset.done $0x0  }
0x2a: {  	[sflag:s14] =	ssyncadd.s32 $0xFFFFFB10  }
0x2b: {  	[bflag:$0x0] =	sbarrier.arrive $0xFFFF  }
0x2c: {  	[spmem:s2] =	stream.indirect.scatter.add.f32 [tilespmem:s15], [sflag:$0x2], $0x10, s3, s6, $0xb8;
	[tilespmem:$0xCB90] =	vst v63  }
0x2d: {  	_ =	swait.ge [sflag:s14], $0x7D00  }
0x2e: {  	[sflag:s14] =	ssyncset.done $0x0  }
0x2f: {  	[sflag:s14] =	ssyncadd.s32 $0xFFFF8300  }
0x30: {  	[spmem:s2] =	stream.indirect.scatter.add.f32 [tilespmem:s15], [sflag:$0x2], $0x10, s6, s6, $0xb8;
	[tilespmem:$0xCB90] =	vst v63  }
0x31: {  	_ =	swait.ge [sflag:s14], $0x7D00  }
0x32: {  	[sflag:s14] =	ssyncset.done $0x0  }
0x33: {  	[sflag:s14] =	ssyncadd.s32 $0xFFFF8300  }
0x34: {  	[spmem:s2] =	stream.indirect.scatter.add.f32 [tilespmem:s15], [sflag:$0x2], $0x10, s8, s6, $0xb8;
	[tilespmem:$0xCB90] =	vst v63  }
0x35: {  	_ =	swait.ge [sflag:s14], $0x7D00  }
0x36: {  	s22 =	smul.u32 $0x13C000, s20;
	[sflag:s14] =	ssyncset.done $0x0  }
0x37: {  	s23 =	smul.u32 $0x13C00, s0;
	[sflag:s14] =	ssyncadd.s32 $0xFFFF8300  }
0x38: {  	[spmem:s2] =	stream.indirect.scatter.add.f32 [tilespmem:s15], [sflag:$0x2], $0x10, s10, s6, $0xb8;
	[tilespmem:$0xCB90] =	vst v63  }
0x39: {  	s20 =	ssub.s32 $0x2, s20;
	s22 =	sadd.s32 s23, s22;
	_ =	swait.ge [sflag:s14], $0x7D00  }
0x3a: {  	s31 =	sshrl.u32 s20, $0x1;
	s22 =	sshrl.u32 s22, $0x3;
	[sflag:s14] =	ssyncset.done $0x0  }
0x3b: {  	s21 =	sadd.s32 s22, s21;
	s22 =	ssub.s32 s20, s31;
	[sflag:s14] =	ssyncadd.s32 $0xFFFF8300  }
0x3c: {  	[spmem:s2] =	stream.indirect.scatter.add.f32 [tilespmem:s15], [sflag:$0x2], $0x10, s12, s6, $0xb8;
	[tilespmem:$0xCB90] =	vst v63  }
0x3d: {  	s22 =	smax.u32 s22, $0x1;
	_ =	swait.ge [sflag:s14], $0x7D00  }
0x3e: {  	p0 =	sne.s32 s22, $0x1;
	[sflag:s14] =	ssyncset.done $0x0  }
.Ltmp0:
0x3f: {  	[sflag:s14] =	ssyncadd.s32 $0xFFFF8300;
	(pc) =	sbr.rel @!p0 .LBB2_2-.Ltmp0, $4  }
0x40: {  	s20 =	sadd.s32 $0x1C200, s21;
	s21 =	simm.s32 $0x10;
	[bflag:$0x0] =	sbarrier.arrive $0xFFFF  }
0x41: {  	[hbm:s20@s21], [sflag:s18] =	dma.strided [spmem:s19@s14], $0x4F0, s16, $0x2   }
0x42: {  	_ =	swait.ge [sflag:s14], $0x4F0  }
0x43: {  	s22 =	sadd.s32 $0xFFFFFFFF, s22;
	[sflag:s14] =	ssyncset.done $0x0  }
.LBB2_1:
0x44: {  	p0 =	sne.s32 s22, $0x1;
	s22 =	sadd.s32 $0xFFFFFFFF, s22;
	[sflag:s14] =	ssyncadd.s32 $0xFFFFFB10  }
0x45: {  	[tilespmem:s3], [sflag:$0x1] =	stream.linear.gather [hbm4b:s4+s3], $0x7D0, $0x38;
	[tilespmem:$0xCB90] =	vst v63  }
0x46: {  	_ = 	snop  }
0x47: {  	[tilespmem:s6], [sflag:$0x1] =	stream.linear.gather [hbm4b:s5+s3], $0x7D0, $0x38;
	[tilespmem:$0xCB90] =	vst v63  }
0x48: {  	_ = 	snop  }
0x49: {  	[tilespmem:s8], [sflag:$0x1] =	stream.linear.gather [hbm4b:s7+s3], $0x7D0, $0x38;
	[tilespmem:$0xCB90] =	vst v63  }
0x4a: {  	_ = 	snop  }
0x4b: {  	[tilespmem:s10], [sflag:$0x1] =	stream.linear.gather [hbm4b:s9+s3], $0x7D0, $0x38;
	[tilespmem:$0xCB90] =	vst v63  }
0x4c: {  	_ = 	snop  }
0x4d: {  	[tilespmem:s12], [sflag:$0x1] =	stream.linear.gather [hbm4b:s11+s3], $0x7D0, $0x38;
	[tilespmem:$0xCB90] =	vst v63  }
0x4e: {  	_ = 	snop  }
0x4f: {  	[tilespmem:s15], [sflag:$0x2] =	stream.linear.gather [hbm4b:s13+s3], $0x7D00, $0x38;
	[tilespmem:$0xCB90] =	vst v63  }
0x50: {  	_ =	swait.ge [sflag:s14], $0x7D00  }
0x51: {  	[sflag:s14] =	ssyncset.done $0x0  }
0x52: {  	[sflag:s14] =	ssyncadd.s32 $0xFFFF8300  }
0x53: {  	_ =	swait.ge [sflag:s16], $0x7D0  }
0x54: {  	[sflag:s16] =	ssyncset.done $0x0  }
0x55: {  	[sflag:s16] =	ssyncadd.s32 $0xFFFFF830  }
0x56: {  	_ =	swait.ge [sflag:s16], $0x7D0  }
0x57: {  	[sflag:s16] =	ssyncset.done $0x0  }
0x58: {  	[sflag:s16] =	ssyncadd.s32 $0xFFFFF830  }
0x59: {  	_ =	swait.ge [sflag:s16], $0x7D0  }
0x5a: {  	[sflag:s16] =	ssyncset.done $0x0  }
0x5b: {  	[sflag:s16] =	ssyncadd.s32 $0xFFFFF830  }
0x5c: {  	_ =	swait.ge [sflag:s16], $0x7D0  }
0x5d: {  	[sflag:s16] =	ssyncset.done $0x0  }
0x5e: {  	[sflag:s16] =	ssyncadd.s32 $0xFFFFF830  }
0x5f: {  	_ =	swait.ge [sflag:s16], $0x7D0  }
0x60: {  	[sflag:s16] =	ssyncset.done $0x0  }
0x61: {  	[sflag:s16] =	ssyncadd.s32 $0xFFFFF830  }
0x62: {  	[spmem:s19], [sflag:s18] =	dma.local [hbm:s17], $0x4F0  }
0x63: {  	_ =	swait.ge [sflag:s14], $0x4F0  }
0x64: {  	[sflag:s14] =	ssyncset.done $0x0  }
0x65: {  	[sflag:s14] =	ssyncadd.s32 $0xFFFFFB10  }
0x66: {  	[bflag:$0x0] =	sbarrier.arrive $0xFFFF  }
0x67: {  	[spmem:s2] =	stream.indirect.scatter.add.f32 [tilespmem:s15], [sflag:$0x2], $0x10, s3, s6, $0xb8;
	[tilespmem:$0xCB90] =	vst v63  }
0x68: {  	_ =	swait.ge [sflag:s14], $0x7D00  }
0x69: {  	[sflag:s14] =	ssyncset.done $0x0  }
0x6a: {  	[sflag:s14] =	ssyncadd.s32 $0xFFFF8300  }
0x6b: {  	[spmem:s2] =	stream.indirect.scatter.add.f32 [tilespmem:s15], [sflag:$0x2], $0x10, s6, s6, $0xb8;
	[tilespmem:$0xCB90] =	vst v63  }
0x6c: {  	_ =	swait.ge [sflag:s14], $0x7D00  }
0x6d: {  	[sflag:s14] =	ssyncset.done $0x0  }
0x6e: {  	[sflag:s14] =	ssyncadd.s32 $0xFFFF8300  }
0x6f: {  	[spmem:s2] =	stream.indirect.scatter.add.f32 [tilespmem:s15], [sflag:$0x2], $0x10, s8, s6, $0xb8;
	[tilespmem:$0xCB90] =	vst v63  }
0x70: {  	_ =	swait.ge [sflag:s14], $0x7D00  }
0x71: {  	[sflag:s14] =	ssyncset.done $0x0  }
0x72: {  	[sflag:s14] =	ssyncadd.s32 $0xFFFF8300  }
0x73: {  	[spmem:s2] =	stream.indirect.scatter.add.f32 [tilespmem:s15], [sflag:$0x2], $0x10, s10, s6, $0xb8;
	[tilespmem:$0xCB90] =	vst v63  }
0x74: {  	_ =	swait.ge [sflag:s14], $0x7D00  }
0x75: {  	[sflag:s14] =	ssyncset.done $0x0  }
0x76: {  	[sflag:s14] =	ssyncadd.s32 $0xFFFF8300  }
0x77: {  	[spmem:s2] =	stream.indirect.scatter.add.f32 [tilespmem:s15], [sflag:$0x2], $0x10, s12, s6, $0xb8;
	[tilespmem:$0xCB90] =	vst v63  }
0x78: {  	_ =	swait.ge [sflag:s14], $0x7D00  }
0x79: {  	[sflag:s14] =	ssyncset.done $0x0  }
.Ltmp1:
0x7a: {  	[sflag:s14] =	ssyncadd.s32 $0xFFFF8300;
	(pc) =	sbr.rel @p0 .LBB2_1-.Ltmp1, $4  }
0x7b: {  	[bflag:$0x0] =	sbarrier.arrive $0xFFFF  }
0x7c: {  	[hbm:s20@s21], [sflag:s18] =	dma.strided [spmem:s19@s14], $0x4F0, s16, $0x2   }
0x7d: {  	_ =	swait.ge [sflag:s14], $0x4F0  }
0x7e: {  	[sflag:s14] =	ssyncset.done $0x0  }
.LBB2_2:
0x7f: {  	[sflag:s14] =	ssyncadd.s32 $0xFFFFFB10  }
0x80: {  	_ =	sfence.sel $0x180000  }
0x81: {  	[bflag:$0x0] =	sbarrier.arrive $0xFFFF  }
0x82: {  	p0 =	sne.s32 s0, $0x0;
	_ =	strace $0x90000047  }
0x83: {  	s0 =	sadd.s32 @!p0 $0x100000, s1;
	[bflag:$0x2] =	sbarrier.arrive $0xFFFF  }
0x84: {  	[sflag:s0] =	ssyncadd.tile.s32 @!p0 $0x1;
	_ =	shalt  }
.Lfunc_end2:
_tile_overlayer_lowered:
.L_overlay_start_2:
0x85: {  	(tag) =	ssettag $0x2  }
0x86: {  	s0 =	rddreg [dreg:$0x0];
	s2 =	stileid.u32  }
0x87: {  	s1 =	rddreg [dreg:$0x1];
	p0 =	sne.s32 s2, $0x0  }
0x88: {  	s3 =	rddreg [dreg:$0x2];
	[bflag:$0x3] =	sbarrier.arrive $0xFFFF;
	s2 =	simm.s32 @!p0 $0x1C02  }
0x89: {  	[timem:s3], [sflag:s2] =	dma.local @!p0 [hbm:s0], s1  }
0x8a: {  	s0 =	simm.s32 @!p0 $0x2  }
0x8b: {  	_ =	swait.ge @!p0 [sflag:s0], s1  }
0x8c: {  	s1 =	ssub.s32 @!p0 $0x0, s1;
	[sflag:s0] =	ssyncset.done @!p0 $0x0  }
0x8d: {  	[sflag:s0] =	ssyncadd.s32 @!p0 s1  }
0x8e: {  	[bflag:$0x3] =	sbarrier.arrive $0xFFFF  }
0x8f: {  	_ =	shalt  }

</sc_bundles>
